<compile_context>
chip_gen: v7x
topology: tpu7x:2x2x1
jax: 0.10.2.dev20260603
libtpu: 0.0.44.dev20260713+nightly
codegen_flags: <defaults>
</compile_context>

<pallas_src>
import functools
import math

import jax
import jax.numpy as jnp
from jax import lax
from jax.experimental import pallas as pl
from jax.experimental.pallas import tpu as pltpu
from jax.experimental.pallas import tpu_sc as plsc

VOCAB = 4634
VOCAB_PAD = 4736
EMBED_DIM = 64
SCALE = math.sqrt(EMBED_DIM)

_info = plsc.get_sparse_core_info()
_NC = _info.num_cores
_NS = _info.num_subcores
_NW = _NC * _NS
_KPW = 8


def _make_lookup(n_batch, n_seq, unroll=8):
    n_grp = n_batch // 16
    assert n_grp % unroll == 0 and n_seq % 2 == 0
    mesh = plsc.VectorSubcoreMesh(core_axis_name="c", subcore_axis_name="s")

    @functools.partial(
        pl.kernel,
        mesh=mesh,
        out_type=jax.ShapeDtypeStruct((n_seq, EMBED_DIM, n_batch), jnp.float32),
        scratch_types=[
            [pltpu.VMEM((VOCAB_PAD,), jnp.float32)] * _KPW,
            [pltpu.VMEM((n_batch,), jnp.int32)] * 2,
            [pltpu.VMEM((_KPW, n_batch), jnp.float32)] * 2,
            [pltpu.SemaphoreType.DMA] * 2,
            [pltpu.SemaphoreType.DMA] * 2,
            pltpu.SemaphoreType.DMA,
        ],
        compiler_params=pltpu.CompilerParams(needs_layout_passes=False),
    )
    def lookup_kernel(tabt_hbm, idxt_hbm, out_hbm, tk, idx_v, obuf, isem, osem, tsem):
        wid = lax.axis_index("s") * _NC + lax.axis_index("c")
        n_slab = EMBED_DIM // _KPW
        jpg = n_seq // (_NW // n_slab)
        k0 = (wid % n_slab) * _KPW
        j0g = (wid // n_slab) * jpg

        for kk in range(_KPW):
            pltpu.async_copy(tabt_hbm.at[k0 + kk], tk[kk], tsem)
        for kk in range(_KPW):
            pltpu.make_async_copy(tabt_hbm.at[k0 + kk], tk[kk], tsem).wait()

        for b in range(2):
            pltpu.async_copy(
                idxt_hbm.at[pl.ds((j0g + b) * n_batch, n_batch)], idx_v[b], isem[b]
            )

        def body(t, carry):
            for b in range(2):
                j = j0g + 2 * t + b
                pltpu.make_async_copy(
                    idxt_hbm.at[pl.ds(j * n_batch, n_batch)], idx_v[b], isem[b]
                ).wait()
                @pl.when(t >= 1)
                def _():
                    pltpu.make_async_copy(
                        obuf[b], out_hbm.at[j, pl.ds(k0, _KPW)], osem[b]
                    ).wait()

                @plsc.parallel_loop(0, n_grp, unroll=unroll)
                def _(g):
                    sl = pl.ds(g * 16, 16)
                    vidx = idx_v[b][sl]
                    for kk in range(_KPW):
                        obuf[b][kk, sl] = plsc.load_gather(tk[kk], [vidx]) * SCALE

                @pl.when(t < jpg // 2 - 1)
                def _():
                    pltpu.async_copy(
                        idxt_hbm.at[pl.ds((j + 2) * n_batch, n_batch)],
                        idx_v[b],
                        isem[b],
                    )

                pltpu.async_copy(obuf[b], out_hbm.at[j, pl.ds(k0, _KPW)], osem[b])
            return carry

        lax.fori_loop(0, jpg // 2, body, 0)

        for b in range(2):
            j = j0g + jpg - 2 + b
            pltpu.make_async_copy(
                obuf[b], out_hbm.at[j, pl.ds(k0, _KPW)], osem[b]
            ).wait()

    return lookup_kernel


_lookup = _make_lookup(4096, 200, unroll=16)


def kernel(x, lut):
    tabt = jnp.zeros((EMBED_DIM, VOCAB_PAD), jnp.float32).at[:, :VOCAB].set(
        jnp.swapaxes(lut, 0, 1)
    )
    idxt = x.astype(jnp.int32).T.reshape(-1)
    out_t = _lookup(tabt, idxt)
    return jnp.transpose(out_t, (2, 0, 1))

# --- scband reference (transcript-rebuilt; emitter-appended) ---
"""Pipeline reference for scband-dm-embeddings-12927851561061 (READ-ONLY COPY).

The authoritative reference and input builder live on the scoring server;
editing this copy changes nothing except your own understanding.
"""

import jax, jax.numpy as jnp
import numpy as np
import math

VOCAB = 4634
EMBED_DIM = 64

def setup_inputs(seed: int = 0) -> dict:
    key = jax.random.key(seed)
    k1, k2 = jax.random.split(key)
    x = jax.random.randint(k1, (4096, 200), 0, VOCAB, dtype=jnp.int64 if jax.config.jax_enable_x64 else jnp.int32)
    lut = jax.random.normal(k2, (VOCAB, EMBED_DIM), dtype=jnp.float32)
    return {"x": x, "lut": lut}

def reference(x, lut):
    # embedding lookup then scale by sqrt(embed_dim), faithful to nn.Embedding(...)(x) * sqrt(d)
    emb = jnp.take(lut, x, axis=0)
    return emb * math.sqrt(EMBED_DIM)

if __name__ == "__main__":
    import jax
    _d = setup_inputs()
    print(jax.jit(kernel)(*tuple(_d.values())))

</pallas_src>

<mosaic_0001>
#map = affine_map<(d0, d1) -> (0, 0)>
#map1 = affine_map<(d0, d1) -> (0)>
#map2 = affine_map<(d0, d1) -> (0, 0, 0)>
module attributes {stable_mosaic.version = 14 : i64} {
  func.func @lookup_kernel(%arg0: i32, %arg1: i32, %arg2: memref<64x4736xf32, #tpu.memory_space<hbm>>, %arg3: memref<819200xi32, #tpu.memory_space<hbm>>, %arg4: memref<200x64x4096xf32, #tpu.memory_space<hbm>>, %arg5: memref<4736xf32, #tpu.memory_space<vmem>>, %arg6: memref<4736xf32, #tpu.memory_space<vmem>>, %arg7: memref<4736xf32, #tpu.memory_space<vmem>>, %arg8: memref<4736xf32, #tpu.memory_space<vmem>>, %arg9: memref<4736xf32, #tpu.memory_space<vmem>>, %arg10: memref<4736xf32, #tpu.memory_space<vmem>>, %arg11: memref<4736xf32, #tpu.memory_space<vmem>>, %arg12: memref<4736xf32, #tpu.memory_space<vmem>>, %arg13: memref<4096xi32, #tpu.memory_space<vmem>>, %arg14: memref<4096xi32, #tpu.memory_space<vmem>>, %arg15: memref<8x4096xf32, #tpu.memory_space<vmem>>, %arg16: memref<8x4096xf32, #tpu.memory_space<vmem>>, %arg17: memref<!tpu.dma_semaphore, #tpu.memory_space<semaphore_mem>>, %arg18: memref<!tpu.dma_semaphore, #tpu.memory_space<semaphore_mem>>, %arg19: memref<!tpu.dma_semaphore, #tpu.memory_space<semaphore_mem>>, %arg20: memref<!tpu.dma_semaphore, #tpu.memory_space<semaphore_mem>>, %arg21: memref<!tpu.dma_semaphore, #tpu.memory_space<semaphore_mem>>) attributes {dimension_semantics = [#tpu.dimension_semantics<core_parallel>, #tpu.dimension_semantics<subcore_parallel>], iteration_bounds = array<i64: 2, 16>, scalar_prefetch = 0 : i64, scratch_operands = 17 : i64, tpu.core_type = #tpu.core_type<sc_vector_subcore>, window_params = [{transform_indices = #map}, {transform_indices = #map1}, {transform_indices = #map2}]} {
    %mul3A = arith.constant 2 : i32
    %mul3A_0 = arith.muli %arg1, %mul3A : i32
    %add3A = arith.addi %mul3A_0, %arg0 : i32
    %jit3A = arith.constant 8 : i32
    %eq3A = arith.constant 0 : i32
    %eq3A_1 = arith.cmpi eq, %jit3A, %eq3A : i32
    %jit3A_2 = arith.constant 1 : i32
    %select_n3A = arith.select %eq3A_1, %jit3A_2, %jit3A : i32
    %rem3A = arith.remsi %add3A, %select_n3A : i32
    %ne3A = arith.constant 0 : i32
    %ne3A_3 = arith.cmpi ne, %rem3A, %ne3A : i32
    %lt3A = arith.constant 0 : i32
    %lt3A_4 = arith.cmpi slt, %rem3A, %lt3A : i32
    %lt3A_5 = arith.constant 0 : i32
    %lt3A_6 = arith.cmpi slt, %select_n3A, %lt3A_5 : i32
    %ne3A_7 = arith.xori %lt3A_4, %lt3A_6 : i1
    %and3A = arith.andi %ne3A_7, %ne3A_3 : i1
    %add3A_8 = arith.addi %rem3A, %select_n3A : i32
    %select_n3A_9 = arith.select %and3A, %add3A_8, %rem3A : i32
    %mul3A_10 = arith.constant 8 : i32
    %mul3A_11 = arith.muli %select_n3A_9, %mul3A_10 : i32
    %jit3A_12 = arith.constant 8 : i32
    %div3A = arith.divsi %add3A, %jit3A_12 : i32
    %sign3A = arith.constant 0 : i32
    %sign3A_13 = arith.cmpi sgt, %add3A, %sign3A : i32
    %sign3A_14 = arith.extui %sign3A_13 : i1 to i32
    %sign3A_15 = arith.constant 0 : i32
    %sign3A_16 = arith.cmpi slt, %add3A, %sign3A_15 : i32
    %sign3A_17 = arith.extui %sign3A_16 : i1 to i32
    %sign3A_18 = arith.subi %sign3A_14, %sign3A_17 : i32
    %sign3A_19 = arith.constant 0 : i32
    %sign3A_20 = arith.cmpi sgt, %jit3A_12, %sign3A_19 : i32
    %sign3A_21 = arith.extui %sign3A_20 : i1 to i32
    %sign3A_22 = arith.constant 0 : i32
    %sign3A_23 = arith.cmpi slt, %jit3A_12, %sign3A_22 : i32
    %sign3A_24 = arith.extui %sign3A_23 : i1 to i32
    %sign3A_25 = arith.subi %sign3A_21, %sign3A_24 : i32
    %ne3A_26 = arith.cmpi ne, %sign3A_18, %sign3A_25 : i32
    %rem3A_27 = arith.remsi %add3A, %jit3A_12 : i32
    %ne3A_28 = arith.constant 0 : i32
    %ne3A_29 = arith.cmpi ne, %rem3A_27, %ne3A_28 : i32
    %and3A_30 = arith.andi %ne3A_26, %ne3A_29 : i1
    %sub3A = arith.constant 1 : i32
    %sub3A_31 = arith.subi %div3A, %sub3A : i32
    %select_n3A_32 = arith.select %and3A_30, %sub3A_31, %div3A : i32
    %mul3A_33 = arith.constant 50 : i32
    %mul3A_34 = arith.muli %select_n3A_32, %mul3A_33 : i32
    %add3A_35 = arith.constant 0 : i32
    %add3A_36 = arith.addi %mul3A_11, %add3A_35 : i32
    %dma_start3A = arith.constant 0 : i32
    %dma_start3A_37 = tpu.memref_slice %arg2[%add3A_36, %dma_start3A] : memref<64x4736xf32, #tpu.memory_space<hbm>> -> memref<1x4736xf32, #tpu.memory_space<hbm>>
    %dma_start3A_38 = tpu.memref_squeeze %dma_start3A_37 : memref<1x4736xf32, #tpu.memory_space<hbm>> -> memref<4736xf32, #tpu.memory_space<hbm>>
    %dma_start3A_39 = arith.constant 0 : i32
    %dma_start3A_40 = tpu.memref_slice %arg2[%add3A_36, %dma_start3A_39] : memref<64x4736xf32, #tpu.memory_space<hbm>> -> memref<1x4736xf32, #tpu.memory_space<hbm>>
    %dma_start3A_41 = tpu.memref_squeeze %dma_start3A_40 : memref<1x4736xf32, #tpu.memory_space<hbm>> -> memref<4736xf32, #tpu.memory_space<hbm>>
    tpu.enqueue_dma source(%dma_start3A_41 : memref<4736xf32, #tpu.memory_space<hbm>>) target(%arg5 : memref<4736xf32, #tpu.memory_space<vmem>>) target_semaphore(%arg21 : memref<!tpu.dma_semaphore, #tpu.memory_space<semaphore_mem>>)
    %add3A_42 = arith.constant 1 : i32
    %add3A_43 = arith.addi %mul3A_11, %add3A_42 : i32
    %dma_start3A_44 = arith.constant 0 : i32
    %dma_start3A_45 = tpu.memref_slice %arg2[%add3A_43, %dma_start3A_44] : memref<64x4736xf32, #tpu.memory_space<hbm>> -> memref<1x4736xf32, #tpu.memory_space<hbm>>
    %dma_start3A_46 = tpu.memref_squeeze %dma_start3A_45 : memref<1x4736xf32, #tpu.memory_space<hbm>> -> memref<4736xf32, #tpu.memory_space<hbm>>
    %dma_start3A_47 = arith.constant 0 : i32
    %dma_start3A_48 = tpu.memref_slice %arg2[%add3A_43, %dma_start3A_47] : memref<64x4736xf32, #tpu.memory_space<hbm>> -> memref<1x4736xf32, #tpu.memory_space<hbm>>
    %dma_start3A_49 = tpu.memref_squeeze %dma_start3A_48 : memref<1x4736xf32, #tpu.memory_space<hbm>> -> memref<4736xf32, #tpu.memory_space<hbm>>
    tpu.enqueue_dma source(%dma_start3A_49 : memref<4736xf32, #tpu.memory_space<hbm>>) target(%arg6 : memref<4736xf32, #tpu.memory_space<vmem>>) target_semaphore(%arg21 : memref<!tpu.dma_semaphore, #tpu.memory_space<semaphore_mem>>)
    %add3A_50 = arith.constant 2 : i32
    %add3A_51 = arith.addi %mul3A_11, %add3A_50 : i32
    %dma_start3A_52 = arith.constant 0 : i32
    %dma_start3A_53 = tpu.memref_slice %arg2[%add3A_51, %dma_start3A_52] : memref<64x4736xf32, #tpu.memory_space<hbm>> -> memref<1x4736xf32, #tpu.memory_space<hbm>>
    %dma_start3A_54 = tpu.memref_squeeze %dma_start3A_53 : memref<1x4736xf32, #tpu.memory_space<hbm>> -> memref<4736xf32, #tpu.memory_space<hbm>>
    %dma_start3A_55 = arith.constant 0 : i32
    %dma_start3A_56 = tpu.memref_slice %arg2[%add3A_51, %dma_start3A_55] : memref<64x4736xf32, #tpu.memory_space<hbm>> -> memref<1x4736xf32, #tpu.memory_space<hbm>>
    %dma_start3A_57 = tpu.memref_squeeze %dma_start3A_56 : memref<1x4736xf32, #tpu.memory_space<hbm>> -> memref<4736xf32, #tpu.memory_space<hbm>>
    tpu.enqueue_dma source(%dma_start3A_57 : memref<4736xf32, #tpu.memory_space<hbm>>) target(%arg7 : memref<4736xf32, #tpu.memory_space<vmem>>) target_semaphore(%arg21 : memref<!tpu.dma_semaphore, #tpu.memory_space<semaphore_mem>>)
    %add3A_58 = arith.constant 3 : i32
    %add3A_59 = arith.addi %mul3A_11, %add3A_58 : i32
    %dma_start3A_60 = arith.constant 0 : i32
    %dma_start3A_61 = tpu.memref_slice %arg2[%add3A_59, %dma_start3A_60] : memref<64x4736xf32, #tpu.memory_space<hbm>> -> memref<1x4736xf32, #tpu.memory_space<hbm>>
    %dma_start3A_62 = tpu.memref_squeeze %dma_start3A_61 : memref<1x4736xf32, #tpu.memory_space<hbm>> -> memref<4736xf32, #tpu.memory_space<hbm>>
    %dma_start3A_63 = arith.constant 0 : i32
    %dma_start3A_64 = tpu.memref_slice %arg2[%add3A_59, %dma_start3A_63] : memref<64x4736xf32, #tpu.memory_space<hbm>> -> memref<1x4736xf32, #tpu.memory_space<hbm>>
    %dma_start3A_65 = tpu.memref_squeeze %dma_start3A_64 : memref<1x4736xf32, #tpu.memory_space<hbm>> -> memref<4736xf32, #tpu.memory_space<hbm>>
    tpu.enqueue_dma source(%dma_start3A_65 : memref<4736xf32, #tpu.memory_space<hbm>>) target(%arg8 : memref<4736xf32, #tpu.memory_space<vmem>>) target_semaphore(%arg21 : memref<!tpu.dma_semaphore, #tpu.memory_space<semaphore_mem>>)
    %add3A_66 = arith.constant 4 : i32
    %add3A_67 = arith.addi %mul3A_11, %add3A_66 : i32
    %dma_start3A_68 = arith.constant 0 : i32
    %dma_start3A_69 = tpu.memref_slice %arg2[%add3A_67, %dma_start3A_68] : memref<64x4736xf32, #tpu.memory_space<hbm>> -> memref<1x4736xf32, #tpu.memory_space<hbm>>
    %dma_start3A_70 = tpu.memref_squeeze %dma_start3A_69 : memref<1x4736xf32, #tpu.memory_space<hbm>> -> memref<4736xf32, #tpu.memory_space<hbm>>
    %dma_start3A_71 = arith.constant 0 : i32
    %dma_start3A_72 = tpu.memref_slice %arg2[%add3A_67, %dma_start3A_71] : memref<64x4736xf32, #tpu.memory_space<hbm>> -> memref<1x4736xf32, #tpu.memory_space<hbm>>
    %dma_start3A_73 = tpu.memref_squeeze %dma_start3A_72 : memref<1x4736xf32, #tpu.memory_space<hbm>> -> memref<4736xf32, #tpu.memory_space<hbm>>
    tpu.enqueue_dma source(%dma_start3A_73 : memref<4736xf32, #tpu.memory_space<hbm>>) target(%arg9 : memref<4736xf32, #tpu.memory_space<vmem>>) target_semaphore(%arg21 : memref<!tpu.dma_semaphore, #tpu.memory_space<semaphore_mem>>)
    %add3A_74 = arith.constant 5 : i32
    %add3A_75 = arith.addi %mul3A_11, %add3A_74 : i32
    %dma_start3A_76 = arith.constant 0 : i32
    %dma_start3A_77 = tpu.memref_slice %arg2[%add3A_75, %dma_start3A_76] : memref<64x4736xf32, #tpu.memory_space<hbm>> -> memref<1x4736xf32, #tpu.memory_space<hbm>>
    %dma_start3A_78 = tpu.memref_squeeze %dma_start3A_77 : memref<1x4736xf32, #tpu.memory_space<hbm>> -> memref<4736xf32, #tpu.memory_space<hbm>>
    %dma_start3A_79 = arith.constant 0 : i32
    %dma_start3A_80 = tpu.memref_slice %arg2[%add3A_75, %dma_start3A_79] : memref<64x4736xf32, #tpu.memory_space<hbm>> -> memref<1x4736xf32, #tpu.memory_space<hbm>>
    %dma_start3A_81 = tpu.memref_squeeze %dma_start3A_80 : memref<1x4736xf32, #tpu.memory_space<hbm>> -> memref<4736xf32, #tpu.memory_space<hbm>>
    tpu.enqueue_dma source(%dma_start3A_81 : memref<4736xf32, #tpu.memory_space<hbm>>) target(%arg10 : memref<4736xf32, #tpu.memory_space<vmem>>) target_semaphore(%arg21 : memref<!tpu.dma_semaphore, #tpu.memory_space<semaphore_mem>>)
    %add3A_82 = arith.constant 6 : i32
    %add3A_83 = arith.addi %mul3A_11, %add3A_82 : i32
    %dma_start3A_84 = arith.constant 0 : i32
    %dma_start3A_85 = tpu.memref_slice %arg2[%add3A_83, %dma_start3A_84] : memref<64x4736xf32, #tpu.memory_space<hbm>> -> memref<1x4736xf32, #tpu.memory_space<hbm>>
    %dma_start3A_86 = tpu.memref_squeeze %dma_start3A_85 : memref<1x4736xf32, #tpu.memory_space<hbm>> -> memref<4736xf32, #tpu.memory_space<hbm>>
    %dma_start3A_87 = arith.constant 0 : i32
    %dma_start3A_88 = tpu.memref_slice %arg2[%add3A_83, %dma_start3A_87] : memref<64x4736xf32, #tpu.memory_space<hbm>> -> memref<1x4736xf32, #tpu.memory_space<hbm>>
    %dma_start3A_89 = tpu.memref_squeeze %dma_start3A_88 : memref<1x4736xf32, #tpu.memory_space<hbm>> -> memref<4736xf32, #tpu.memory_space<hbm>>
    tpu.enqueue_dma source(%dma_start3A_89 : memref<4736xf32, #tpu.memory_space<hbm>>) target(%arg11 : memref<4736xf32, #tpu.memory_space<vmem>>) target_semaphore(%arg21 : memref<!tpu.dma_semaphore, #tpu.memory_space<semaphore_mem>>)
    %add3A_90 = arith.constant 7 : i32
    %add3A_91 = arith.addi %mul3A_11, %add3A_90 : i32
    %dma_start3A_92 = arith.constant 0 : i32
    %dma_start3A_93 = tpu.memref_slice %arg2[%add3A_91, %dma_start3A_92] : memref<64x4736xf32, #tpu.memory_space<hbm>> -> memref<1x4736xf32, #tpu.memory_space<hbm>>
    %dma_start3A_94 = tpu.memref_squeeze %dma_start3A_93 : memref<1x4736xf32, #tpu.memory_space<hbm>> -> memref<4736xf32, #tpu.memory_space<hbm>>
    %dma_start3A_95 = arith.constant 0 : i32
    %dma_start3A_96 = tpu.memref_slice %arg2[%add3A_91, %dma_start3A_95] : memref<64x4736xf32, #tpu.memory_space<hbm>> -> memref<1x4736xf32, #tpu.memory_space<hbm>>
    %dma_start3A_97 = tpu.memref_squeeze %dma_start3A_96 : memref<1x4736xf32, #tpu.memory_space<hbm>> -> memref<4736xf32, #tpu.memory_space<hbm>>
    tpu.enqueue_dma source(%dma_start3A_97 : memref<4736xf32, #tpu.memory_space<hbm>>) target(%arg12 : memref<4736xf32, #tpu.memory_space<vmem>>) target_semaphore(%arg21 : memref<!tpu.dma_semaphore, #tpu.memory_space<semaphore_mem>>)
    %add3A_98 = arith.constant 0 : i32
    %add3A_99 = arith.addi %mul3A_11, %add3A_98 : i32
    %dma_wait3A = arith.constant 0 : i32
    %dma_wait3A_100 = tpu.memref_slice %arg2[%add3A_99, %dma_wait3A] : memref<64x4736xf32, #tpu.memory_space<hbm>> -> memref<1x4736xf32, #tpu.memory_space<hbm>>
    %dma_wait3A_101 = tpu.memref_squeeze %dma_wait3A_100 : memref<1x4736xf32, #tpu.memory_space<hbm>> -> memref<4736xf32, #tpu.memory_space<hbm>>
    %dma_wait3A_102 = arith.constant 0 : i32
    %dma_wait3A_103 = tpu.memref_slice %arg2[%add3A_99, %dma_wait3A_102] : memref<64x4736xf32, #tpu.memory_space<hbm>> -> memref<1x4736xf32, #tpu.memory_space<hbm>>
    %dma_wait3A_104 = tpu.memref_squeeze %dma_wait3A_103 : memref<1x4736xf32, #tpu.memory_space<hbm>> -> memref<4736xf32, #tpu.memory_space<hbm>>
    tpu.wait_dma2 semaphore(%arg21 : memref<!tpu.dma_semaphore, #tpu.memory_space<semaphore_mem>>) src(%dma_wait3A_104 : memref<4736xf32, #tpu.memory_space<hbm>>) dst(%arg5 : memref<4736xf32, #tpu.memory_space<vmem>>)
    %add3A_105 = arith.constant 1 : i32
    %add3A_106 = arith.addi %mul3A_11, %add3A_105 : i32
    %dma_wait3A_107 = arith.constant 0 : i32
    %dma_wait3A_108 = tpu.memref_slice %arg2[%add3A_106, %dma_wait3A_107] : memref<64x4736xf32, #tpu.memory_space<hbm>> -> memref<1x4736xf32, #tpu.memory_space<hbm>>
    %dma_wait3A_109 = tpu.memref_squeeze %dma_wait3A_108 : memref<1x4736xf32, #tpu.memory_space<hbm>> -> memref<4736xf32, #tpu.memory_space<hbm>>
    %dma_wait3A_110 = arith.constant 0 : i32
    %dma_wait3A_111 = tpu.memref_slice %arg2[%add3A_106, %dma_wait3A_110] : memref<64x4736xf32, #tpu.memory_space<hbm>> -> memref<1x4736xf32, #tpu.memory_space<hbm>>
    %dma_wait3A_112 = tpu.memref_squeeze %dma_wait3A_111 : memref<1x4736xf32, #tpu.memory_space<hbm>> -> memref<4736xf32, #tpu.memory_space<hbm>>
    tpu.wait_dma2 semaphore(%arg21 : memref<!tpu.dma_semaphore, #tpu.memory_space<semaphore_mem>>) src(%dma_wait3A_112 : memref<4736xf32, #tpu.memory_space<hbm>>) dst(%arg6 : memref<4736xf32, #tpu.memory_space<vmem>>)
    %add3A_113 = arith.constant 2 : i32
    %add3A_114 = arith.addi %mul3A_11, %add3A_113 : i32
    %dma_wait3A_115 = arith.constant 0 : i32
    %dma_wait3A_116 = tpu.memref_slice %arg2[%add3A_114, %dma_wait3A_115] : memref<64x4736xf32, #tpu.memory_space<hbm>> -> memref<1x4736xf32, #tpu.memory_space<hbm>>
    %dma_wait3A_117 = tpu.memref_squeeze %dma_wait3A_116 : memref<1x4736xf32, #tpu.memory_space<hbm>> -> memref<4736xf32, #tpu.memory_space<hbm>>
    %dma_wait3A_118 = arith.constant 0 : i32
    %dma_wait3A_119 = tpu.memref_slice %arg2[%add3A_114, %dma_wait3A_118] : memref<64x4736xf32, #tpu.memory_space<hbm>> -> memref<1x4736xf32, #tpu.memory_space<hbm>>
    %dma_wait3A_120 = tpu.memref_squeeze %dma_wait3A_119 : memref<1x4736xf32, #tpu.memory_space<hbm>> -> memref<4736xf32, #tpu.memory_space<hbm>>
    tpu.wait_dma2 semaphore(%arg21 : memref<!tpu.dma_semaphore, #tpu.memory_space<semaphore_mem>>) src(%dma_wait3A_120 : memref<4736xf32, #tpu.memory_space<hbm>>) dst(%arg7 : memref<4736xf32, #tpu.memory_space<vmem>>)
    %add3A_121 = arith.constant 3 : i32
    %add3A_122 = arith.addi %mul3A_11, %add3A_121 : i32
    %dma_wait3A_123 = arith.constant 0 : i32
    %dma_wait3A_124 = tpu.memref_slice %arg2[%add3A_122, %dma_wait3A_123] : memref<64x4736xf32, #tpu.memory_space<hbm>> -> memref<1x4736xf32, #tpu.memory_space<hbm>>
    %dma_wait3A_125 = tpu.memref_squeeze %dma_wait3A_124 : memref<1x4736xf32, #tpu.memory_space<hbm>> -> memref<4736xf32, #tpu.memory_space<hbm>>
    %dma_wait3A_126 = arith.constant 0 : i32
    %dma_wait3A_127 = tpu.memref_slice %arg2[%add3A_122, %dma_wait3A_126] : memref<64x4736xf32, #tpu.memory_space<hbm>> -> memref<1x4736xf32, #tpu.memory_space<hbm>>
    %dma_wait3A_128 = tpu.memref_squeeze %dma_wait3A_127 : memref<1x4736xf32, #tpu.memory_space<hbm>> -> memref<4736xf32, #tpu.memory_space<hbm>>
    tpu.wait_dma2 semaphore(%arg21 : memref<!tpu.dma_semaphore, #tpu.memory_space<semaphore_mem>>) src(%dma_wait3A_128 : memref<4736xf32, #tpu.memory_space<hbm>>) dst(%arg8 : memref<4736xf32, #tpu.memory_space<vmem>>)
    %add3A_129 = arith.constant 4 : i32
    %add3A_130 = arith.addi %mul3A_11, %add3A_129 : i32
    %dma_wait3A_131 = arith.constant 0 : i32
    %dma_wait3A_132 = tpu.memref_slice %arg2[%add3A_130, %dma_wait3A_131] : memref<64x4736xf32, #tpu.memory_space<hbm>> -> memref<1x4736xf32, #tpu.memory_space<hbm>>
    %dma_wait3A_133 = tpu.memref_squeeze %dma_wait3A_132 : memref<1x4736xf32, #tpu.memory_space<hbm>> -> memref<4736xf32, #tpu.memory_space<hbm>>
    %dma_wait3A_134 = arith.constant 0 : i32
    %dma_wait3A_135 = tpu.memref_slice %arg2[%add3A_130, %dma_wait3A_134] : memref<64x4736xf32, #tpu.memory_space<hbm>> -> memref<1x4736xf32, #tpu.memory_space<hbm>>
    %dma_wait3A_136 = tpu.memref_squeeze %dma_wait3A_135 : memref<1x4736xf32, #tpu.memory_space<hbm>> -> memref<4736xf32, #tpu.memory_space<hbm>>
    tpu.wait_dma2 semaphore(%arg21 : memref<!tpu.dma_semaphore, #tpu.memory_space<semaphore_mem>>) src(%dma_wait3A_136 : memref<4736xf32, #tpu.memory_space<hbm>>) dst(%arg9 : memref<4736xf32, #tpu.memory_space<vmem>>)
    %add3A_137 = arith.constant 5 : i32
    %add3A_138 = arith.addi %mul3A_11, %add3A_137 : i32
    %dma_wait3A_139 = arith.constant 0 : i32
    %dma_wait3A_140 = tpu.memref_slice %arg2[%add3A_138, %dma_wait3A_139] : memref<64x4736xf32, #tpu.memory_space<hbm>> -> memref<1x4736xf32, #tpu.memory_space<hbm>>
    %dma_wait3A_141 = tpu.memref_squeeze %dma_wait3A_140 : memref<1x4736xf32, #tpu.memory_space<hbm>> -> memref<4736xf32, #tpu.memory_space<hbm>>
    %dma_wait3A_142 = arith.constant 0 : i32
    %dma_wait3A_143 = tpu.memref_slice %arg2[%add3A_138, %dma_wait3A_142] : memref<64x4736xf32, #tpu.memory_space<hbm>> -> memref<1x4736xf32, #tpu.memory_space<hbm>>
    %dma_wait3A_144 = tpu.memref_squeeze %dma_wait3A_143 : memref<1x4736xf32, #tpu.memory_space<hbm>> -> memref<4736xf32, #tpu.memory_space<hbm>>
    tpu.wait_dma2 semaphore(%arg21 : memref<!tpu.dma_semaphore, #tpu.memory_space<semaphore_mem>>) src(%dma_wait3A_144 : memref<4736xf32, #tpu.memory_space<hbm>>) dst(%arg10 : memref<4736xf32, #tpu.memory_space<vmem>>)
    %add3A_145 = arith.constant 6 : i32
    %add3A_146 = arith.addi %mul3A_11, %add3A_145 : i32
    %dma_wait3A_147 = arith.constant 0 : i32
    %dma_wait3A_148 = tpu.memref_slice %arg2[%add3A_146, %dma_wait3A_147] : memref<64x4736xf32, #tpu.memory_space<hbm>> -> memref<1x4736xf32, #tpu.memory_space<hbm>>
    %dma_wait3A_149 = tpu.memref_squeeze %dma_wait3A_148 : memref<1x4736xf32, #tpu.memory_space<hbm>> -> memref<4736xf32, #tpu.memory_space<hbm>>
    %dma_wait3A_150 = arith.constant 0 : i32
    %dma_wait3A_151 = tpu.memref_slice %arg2[%add3A_146, %dma_wait3A_150] : memref<64x4736xf32, #tpu.memory_space<hbm>> -> memref<1x4736xf32, #tpu.memory_space<hbm>>
    %dma_wait3A_152 = tpu.memref_squeeze %dma_wait3A_151 : memref<1x4736xf32, #tpu.memory_space<hbm>> -> memref<4736xf32, #tpu.memory_space<hbm>>
    tpu.wait_dma2 semaphore(%arg21 : memref<!tpu.dma_semaphore, #tpu.memory_space<semaphore_mem>>) src(%dma_wait3A_152 : memref<4736xf32, #tpu.memory_space<hbm>>) dst(%arg11 : memref<4736xf32, #tpu.memory_space<vmem>>)
    %add3A_153 = arith.constant 7 : i32
    %add3A_154 = arith.addi %mul3A_11, %add3A_153 : i32
    %dma_wait3A_155 = arith.constant 0 : i32
    %dma_wait3A_156 = tpu.memref_slice %arg2[%add3A_154, %dma_wait3A_155] : memref<64x4736xf32, #tpu.memory_space<hbm>> -> memref<1x4736xf32, #tpu.memory_space<hbm>>
    %dma_wait3A_157 = tpu.memref_squeeze %dma_wait3A_156 : memref<1x4736xf32, #tpu.memory_space<hbm>> -> memref<4736xf32, #tpu.memory_space<hbm>>
    %dma_wait3A_158 = arith.constant 0 : i32
    %dma_wait3A_159 = tpu.memref_slice %arg2[%add3A_154, %dma_wait3A_158] : memref<64x4736xf32, #tpu.memory_space<hbm>> -> memref<1x4736xf32, #tpu.memory_space<hbm>>
    %dma_wait3A_160 = tpu.memref_squeeze %dma_wait3A_159 : memref<1x4736xf32, #tpu.memory_space<hbm>> -> memref<4736xf32, #tpu.memory_space<hbm>>
    tpu.wait_dma2 semaphore(%arg21 : memref<!tpu.dma_semaphore, #tpu.memory_space<semaphore_mem>>) src(%dma_wait3A_160 : memref<4736xf32, #tpu.memory_space<hbm>>) dst(%arg12 : memref<4736xf32, #tpu.memory_space<vmem>>)
    %add3A_161 = arith.constant 0 : i32
    %add3A_162 = arith.addi %mul3A_34, %add3A_161 : i32
    %mul3A_163 = arith.constant 4096 : i32
    %mul3A_164 = arith.muli %add3A_162, %mul3A_163 : i32
    %dma_start3A_165 = tpu.memref_slice %arg3[%mul3A_164] : memref<819200xi32, #tpu.memory_space<hbm>> -> memref<4096xi32, #tpu.memory_space<hbm>>
    %dma_start3A_166 = tpu.memref_slice %arg3[%mul3A_164] : memref<819200xi32, #tpu.memory_space<hbm>> -> memref<4096xi32, #tpu.memory_space<hbm>>
    tpu.enqueue_dma source(%dma_start3A_166 : memref<4096xi32, #tpu.memory_space<hbm>>) target(%arg13 : memref<4096xi32, #tpu.memory_space<vmem>>) target_semaphore(%arg17 : memref<!tpu.dma_semaphore, #tpu.memory_space<semaphore_mem>>)
    %add3A_167 = arith.constant 1 : i32
    %add3A_168 = arith.addi %mul3A_34, %add3A_167 : i32
    %mul3A_169 = arith.constant 4096 : i32
    %mul3A_170 = arith.muli %add3A_168, %mul3A_169 : i32
    %dma_start3A_171 = tpu.memref_slice %arg3[%mul3A_170] : memref<819200xi32, #tpu.memory_space<hbm>> -> memref<4096xi32, #tpu.memory_space<hbm>>
    %dma_start3A_172 = tpu.memref_slice %arg3[%mul3A_170] : memref<819200xi32, #tpu.memory_space<hbm>> -> memref<4096xi32, #tpu.memory_space<hbm>>
    tpu.enqueue_dma source(%dma_start3A_172 : memref<4096xi32, #tpu.memory_space<hbm>>) target(%arg14 : memref<4096xi32, #tpu.memory_space<vmem>>) target_semaphore(%arg18 : memref<!tpu.dma_semaphore, #tpu.memory_space<semaphore_mem>>)
    %scan3A = arith.constant 0 : i32
    %scan3A_173 = arith.constant 0 : i32
    %scan3A_174 = arith.constant 25 : i32
    %scan3A_175 = arith.addi %scan3A_173, %scan3A_174 : i32
    %scan3A_176 = arith.constant 1 : i32
    scf.for %scan3A_202 = %scan3A_173 to %scan3A_175 step %scan3A_176  : i32 {
      %mul3A_203 = arith.constant 2 : i32
      %mul3A_204 = arith.muli %mul3A_203, %scan3A_202 : i32
      %add3A_205 = arith.addi %mul3A_34, %mul3A_204 : i32
      %add3A_206 = arith.constant 0 : i32
      %add3A_207 = arith.addi %add3A_205, %add3A_206 : i32
      %mul3A_208 = arith.constant 4096 : i32
      %mul3A_209 = arith.muli %add3A_207, %mul3A_208 : i32
      %dma_wait3A_210 = tpu.memref_slice %arg3[%mul3A_209] : memref<819200xi32, #tpu.memory_space<hbm>> -> memref<4096xi32, #tpu.memory_space<hbm>>
      %dma_wait3A_211 = tpu.memref_slice %arg3[%mul3A_209] : memref<819200xi32, #tpu.memory_space<hbm>> -> memref<4096xi32, #tpu.memory_space<hbm>>
      tpu.wait_dma2 semaphore(%arg17 : memref<!tpu.dma_semaphore, #tpu.memory_space<semaphore_mem>>) src(%dma_wait3A_211 : memref<4096xi32, #tpu.memory_space<hbm>>) dst(%arg13 : memref<4096xi32, #tpu.memory_space<vmem>>)
      %ge3A = arith.constant 1 : i32
      %ge3A_212 = arith.cmpi sge, %scan3A_202, %ge3A : i32
      %convert_element_type3A = arith.extui %ge3A_212 : i1 to i32
      %cond3A = arith.constant 0 : i32
      %cond3A_213 = arith.cmpi ne, %convert_element_type3A, %cond3A : i32
      scf.if %cond3A_213 {
        %dma_wait3A_255 = arith.constant 0 : i32
        %dma_wait3A_256 = tpu.memref_slice %arg4[%add3A_207, %mul3A_11, %dma_wait3A_255] : memref<200x64x4096xf32, #tpu.memory_space<hbm>> -> memref<1x8x4096xf32, #tpu.memory_space<hbm>>
        %dma_wait3A_257 = tpu.memref_squeeze %dma_wait3A_256 : memref<1x8x4096xf32, #tpu.memory_space<hbm>> -> memref<8x4096xf32, #tpu.memory_space<hbm>>
        %dma_wait3A_258 = arith.constant 0 : i32
        %dma_wait3A_259 = tpu.memref_slice %arg4[%add3A_207, %mul3A_11, %dma_wait3A_258] : memref<200x64x4096xf32, #tpu.memory_space<hbm>> -> memref<1x8x4096xf32, #tpu.memory_space<hbm>>
        %dma_wait3A_260 = tpu.memref_squeeze %dma_wait3A_259 : memref<1x8x4096xf32, #tpu.memory_space<hbm>> -> memref<8x4096xf32, #tpu.memory_space<hbm>>
        tpu.wait_dma2 semaphore(%arg19 : memref<!tpu.dma_semaphore, #tpu.memory_space<semaphore_mem>>) src(%arg15 : memref<8x4096xf32, #tpu.memory_space<vmem>>) dst(%dma_wait3A_260 : memref<8x4096xf32, #tpu.memory_space<hbm>>)
      } else {
      }
      %parallel_loop3A = arith.constant 0 : i32
      %parallel_loop3A_214 = arith.constant 256 : i32
      %parallel_loop3A_215 = arith.constant 1 : i32
      scf.for %parallel_loop3A_255 = %parallel_loop3A to %parallel_loop3A_214 step %parallel_loop3A_215  : i32 {
        %parallel_loop3A_256 = arith.constant 16 : i32
        %parallel_loop3A_257 = arith.muli %parallel_loop3A_255, %parallel_loop3A_256 : i32
        %parallel_loop3A_258 = arith.index_cast %parallel_loop3A_257 : i32 to index
        %parallel_loop3A_259 = tpu.vector_load %arg13[%parallel_loop3A_258] {strides = array<i32>} : memref<4096xi32, #tpu.memory_space<vmem>>, vector<16xi32>,
        %parallel_loop3A_260 = tpu.vector_load_idx %arg5[%parallel_loop3A_259] : memref<4736xf32, #tpu.memory_space<vmem>>[vector<16xi32>], vector<16xf32>,
        %parallel_loop3A_261 = arith.constant 8.000000e+00 : f32
        %parallel_loop3A_262 = vector.broadcast %parallel_loop3A_261 : f32 to vector<16xf32>
        %parallel_loop3A_263 = arith.mulf %parallel_loop3A_260, %parallel_loop3A_262 : vector<16xf32>
        %parallel_loop3A_264 = arith.constant 0 : i32
        %parallel_loop3A_265 = arith.index_cast %parallel_loop3A_264 : i32 to index
        %parallel_loop3A_266 = arith.index_cast %parallel_loop3A_257 : i32 to index
        %parallel_loop3A_267 = tpu.vector_load %arg15[%parallel_loop3A_265, %parallel_loop3A_266] {strides = array<i32>} : memref<8x4096xf32, #tpu.memory_space<vmem>>, vector<16xf32>,
        tpu.vector_store %arg15[%parallel_loop3A_265, %parallel_loop3A_266], %parallel_loop3A_263 {strides = array<i32>} : memref<8x4096xf32, #tpu.memory_space<vmem>>, vector<16xf32>,
        %parallel_loop3A_268 = tpu.vector_load_idx %arg6[%parallel_loop3A_259] : memref<4736xf32, #tpu.memory_space<vmem>>[vector<16xi32>], vector<16xf32>,
        %parallel_loop3A_269 = arith.constant 8.000000e+00 : f32
        %parallel_loop3A_270 = vector.broadcast %parallel_loop3A_269 : f32 to vector<16xf32>
        %parallel_loop3A_271 = arith.mulf %parallel_loop3A_268, %parallel_loop3A_270 : vector<16xf32>
        %parallel_loop3A_272 = arith.constant 1 : i32
        %parallel_loop3A_273 = arith.index_cast %parallel_loop3A_272 : i32 to index
        %parallel_loop3A_274 = arith.index_cast %parallel_loop3A_257 : i32 to index
        %parallel_loop3A_275 = tpu.vector_load %arg15[%parallel_loop3A_273, %parallel_loop3A_274] {strides = array<i32>} : memref<8x4096xf32, #tpu.memory_space<vmem>>, vector<16xf32>,
        tpu.vector_store %arg15[%parallel_loop3A_273, %parallel_loop3A_274], %parallel_loop3A_271 {strides = array<i32>} : memref<8x4096xf32, #tpu.memory_space<vmem>>, vector<16xf32>,
        %parallel_loop3A_276 = tpu.vector_load_idx %arg7[%parallel_loop3A_259] : memref<4736xf32, #tpu.memory_space<vmem>>[vector<16xi32>], vector<16xf32>,
        %parallel_loop3A_277 = arith.constant 8.000000e+00 : f32
        %parallel_loop3A_278 = vector.broadcast %parallel_loop3A_277 : f32 to vector<16xf32>
        %parallel_loop3A_279 = arith.mulf %parallel_loop3A_276, %parallel_loop3A_278 : vector<16xf32>
        %parallel_loop3A_280 = arith.constant 2 : i32
        %parallel_loop3A_281 = arith.index_cast %parallel_loop3A_280 : i32 to index
        %parallel_loop3A_282 = arith.index_cast %parallel_loop3A_257 : i32 to index
        %parallel_loop3A_283 = tpu.vector_load %arg15[%parallel_loop3A_281, %parallel_loop3A_282] {strides = array<i32>} : memref<8x4096xf32, #tpu.memory_space<vmem>>, vector<16xf32>,
        tpu.vector_store %arg15[%parallel_loop3A_281, %parallel_loop3A_282], %parallel_loop3A_279 {strides = array<i32>} : memref<8x4096xf32, #tpu.memory_space<vmem>>, vector<16xf32>,
        %parallel_loop3A_284 = tpu.vector_load_idx %arg8[%parallel_loop3A_259] : memref<4736xf32, #tpu.memory_space<vmem>>[vector<16xi32>], vector<16xf32>,
        %parallel_loop3A_285 = arith.constant 8.000000e+00 : f32
        %parallel_loop3A_286 = vector.broadcast %parallel_loop3A_285 : f32 to vector<16xf32>
        %parallel_loop3A_287 = arith.mulf %parallel_loop3A_284, %parallel_loop3A_286 : vector<16xf32>
        %parallel_loop3A_288 = arith.constant 3 : i32
        %parallel_loop3A_289 = arith.index_cast %parallel_loop3A_288 : i32 to index
        %parallel_loop3A_290 = arith.index_cast %parallel_loop3A_257 : i32 to index
        %parallel_loop3A_291 = tpu.vector_load %arg15[%parallel_loop3A_289, %parallel_loop3A_290] {strides = array<i32>} : memref<8x4096xf32, #tpu.memory_space<vmem>>, vector<16xf32>,
        tpu.vector_store %arg15[%parallel_loop3A_289, %parallel_loop3A_290], %parallel_loop3A_287 {strides = array<i32>} : memref<8x4096xf32, #tpu.memory_space<vmem>>, vector<16xf32>,
        %parallel_loop3A_292 = tpu.vector_load_idx %arg9[%parallel_loop3A_259] : memref<4736xf32, #tpu.memory_space<vmem>>[vector<16xi32>], vector<16xf32>,
        %parallel_loop3A_293 = arith.constant 8.000000e+00 : f32
        %parallel_loop3A_294 = vector.broadcast %parallel_loop3A_293 : f32 to vector<16xf32>
        %parallel_loop3A_295 = arith.mulf %parallel_loop3A_292, %parallel_loop3A_294 : vector<16xf32>
        %parallel_loop3A_296 = arith.constant 4 : i32
        %parallel_loop3A_297 = arith.index_cast %parallel_loop3A_296 : i32 to index
        %parallel_loop3A_298 = arith.index_cast %parallel_loop3A_257 : i32 to index
        %parallel_loop3A_299 = tpu.vector_load %arg15[%parallel_loop3A_297, %parallel_loop3A_298] {strides = array<i32>} : memref<8x4096xf32, #tpu.memory_space<vmem>>, vector<16xf32>,
        tpu.vector_store %arg15[%parallel_loop3A_297, %parallel_loop3A_298], %parallel_loop3A_295 {strides = array<i32>} : memref<8x4096xf32, #tpu.memory_space<vmem>>, vector<16xf32>,
        %parallel_loop3A_300 = tpu.vector_load_idx %arg10[%parallel_loop3A_259] : memref<4736xf32, #tpu.memory_space<vmem>>[vector<16xi32>], vector<16xf32>,
        %parallel_loop3A_301 = arith.constant 8.000000e+00 : f32
        %parallel_loop3A_302 = vector.broadcast %parallel_loop3A_301 : f32 to vector<16xf32>
        %parallel_loop3A_303 = arith.mulf %parallel_loop3A_300, %parallel_loop3A_302 : vector<16xf32>
        %parallel_loop3A_304 = arith.constant 5 : i32
        %parallel_loop3A_305 = arith.index_cast %parallel_loop3A_304 : i32 to index
        %parallel_loop3A_306 = arith.index_cast %parallel_loop3A_257 : i32 to index
        %parallel_loop3A_307 = tpu.vector_load %arg15[%parallel_loop3A_305, %parallel_loop3A_306] {strides = array<i32>} : memref<8x4096xf32, #tpu.memory_space<vmem>>, vector<16xf32>,
        tpu.vector_store %arg15[%parallel_loop3A_305, %parallel_loop3A_306], %parallel_loop3A_303 {strides = array<i32>} : memref<8x4096xf32, #tpu.memory_space<vmem>>, vector<16xf32>,
        %parallel_loop3A_308 = tpu.vector_load_idx %arg11[%parallel_loop3A_259] : memref<4736xf32, #tpu.memory_space<vmem>>[vector<16xi32>], vector<16xf32>,
        %parallel_loop3A_309 = arith.constant 8.000000e+00 : f32
        %parallel_loop3A_310 = vector.broadcast %parallel_loop3A_309 : f32 to vector<16xf32>
        %parallel_loop3A_311 = arith.mulf %parallel_loop3A_308, %parallel_loop3A_310 : vector<16xf32>
        %parallel_loop3A_312 = arith.constant 6 : i32
        %parallel_loop3A_313 = arith.index_cast %parallel_loop3A_312 : i32 to index
        %parallel_loop3A_314 = arith.index_cast %parallel_loop3A_257 : i32 to index
        %parallel_loop3A_315 = tpu.vector_load %arg15[%parallel_loop3A_313, %parallel_loop3A_314] {strides = array<i32>} : memref<8x4096xf32, #tpu.memory_space<vmem>>, vector<16xf32>,
        tpu.vector_store %arg15[%parallel_loop3A_313, %parallel_loop3A_314], %parallel_loop3A_311 {strides = array<i32>} : memref<8x4096xf32, #tpu.memory_space<vmem>>, vector<16xf32>,
        %parallel_loop3A_316 = tpu.vector_load_idx %arg12[%parallel_loop3A_259] : memref<4736xf32, #tpu.memory_space<vmem>>[vector<16xi32>], vector<16xf32>,
        %parallel_loop3A_317 = arith.constant 8.000000e+00 : f32
        %parallel_loop3A_318 = vector.broadcast %parallel_loop3A_317 : f32 to vector<16xf32>
        %parallel_loop3A_319 = arith.mulf %parallel_loop3A_316, %parallel_loop3A_318 : vector<16xf32>
        %parallel_loop3A_320 = arith.constant 7 : i32
        %parallel_loop3A_321 = arith.index_cast %parallel_loop3A_320 : i32 to index
        %parallel_loop3A_322 = arith.index_cast %parallel_loop3A_257 : i32 to index
        %parallel_loop3A_323 = tpu.vector_load %arg15[%parallel_loop3A_321, %parallel_loop3A_322] {strides = array<i32>} : memref<8x4096xf32, #tpu.memory_space<vmem>>, vector<16xf32>,
        tpu.vector_store %arg15[%parallel_loop3A_321, %parallel_loop3A_322], %parallel_loop3A_319 {strides = array<i32>} : memref<8x4096xf32, #tpu.memory_space<vmem>>, vector<16xf32>,
      } {sc.loop_unroll_factor = 16 : i64, sc.parallel_access}
      %lt3A_216 = arith.constant 24 : i32
      %lt3A_217 = arith.cmpi slt, %scan3A_202, %lt3A_216 : i32
      %convert_element_type3A_218 = arith.extui %lt3A_217 : i1 to i32
      %cond3A_219 = arith.constant 0 : i32
      %cond3A_220 = arith.cmpi ne, %convert_element_type3A_218, %cond3A_219 : i32
      scf.if %cond3A_220 {
        %add3A_255 = arith.constant 2 : i32
        %add3A_256 = arith.addi %add3A_207, %add3A_255 : i32
        %mul3A_257 = arith.constant 4096 : i32
        %mul3A_258 = arith.muli %add3A_256, %mul3A_257 : i32
        %dma_start3A_259 = tpu.memref_slice %arg3[%mul3A_258] : memref<819200xi32, #tpu.memory_space<hbm>> -> memref<4096xi32, #tpu.memory_space<hbm>>
        %dma_start3A_260 = tpu.memref_slice %arg3[%mul3A_258] : memref<819200xi32, #tpu.memory_space<hbm>> -> memref<4096xi32, #tpu.memory_space<hbm>>
        tpu.enqueue_dma source(%dma_start3A_260 : memref<4096xi32, #tpu.memory_space<hbm>>) target(%arg13 : memref<4096xi32, #tpu.memory_space<vmem>>) target_semaphore(%arg17 : memref<!tpu.dma_semaphore, #tpu.memory_space<semaphore_mem>>)
      } else {
      }
      %dma_start3A_221 = arith.constant 0 : i32
      %dma_start3A_222 = tpu.memref_slice %arg4[%add3A_207, %mul3A_11, %dma_start3A_221] : memref<200x64x4096xf32, #tpu.memory_space<hbm>> -> memref<1x8x4096xf32, #tpu.memory_space<hbm>>
      %dma_start3A_223 = tpu.memref_squeeze %dma_start3A_222 : memref<1x8x4096xf32, #tpu.memory_space<hbm>> -> memref<8x4096xf32, #tpu.memory_space<hbm>>
      %dma_start3A_224 = arith.constant 0 : i32
      %dma_start3A_225 = tpu.memref_slice %arg4[%add3A_207, %mul3A_11, %dma_start3A_224] : memref<200x64x4096xf32, #tpu.memory_space<hbm>> -> memref<1x8x4096xf32, #tpu.memory_space<hbm>>
      %dma_start3A_226 = tpu.memref_squeeze %dma_start3A_225 : memref<1x8x4096xf32, #tpu.memory_space<hbm>> -> memref<8x4096xf32, #tpu.memory_space<hbm>>
      tpu.enqueue_dma source(%arg15 : memref<8x4096xf32, #tpu.memory_space<vmem>>) target(%dma_start3A_226 : memref<8x4096xf32, #tpu.memory_space<hbm>>) target_semaphore(%arg19 : memref<!tpu.dma_semaphore, #tpu.memory_space<semaphore_mem>>)
      %mul3A_227 = arith.constant 2 : i32
      %mul3A_228 = arith.muli %mul3A_227, %scan3A_202 : i32
      %add3A_229 = arith.addi %mul3A_34, %mul3A_228 : i32
      %add3A_230 = arith.constant 1 : i32
      %add3A_231 = arith.addi %add3A_229, %add3A_230 : i32
      %mul3A_232 = arith.constant 4096 : i32
      %mul3A_233 = arith.muli %add3A_231, %mul3A_232 : i32
      %dma_wait3A_234 = tpu.memref_slice %arg3[%mul3A_233] : memref<819200xi32, #tpu.memory_space<hbm>> -> memref<4096xi32, #tpu.memory_space<hbm>>
      %dma_wait3A_235 = tpu.memref_slice %arg3[%mul3A_233] : memref<819200xi32, #tpu.memory_space<hbm>> -> memref<4096xi32, #tpu.memory_space<hbm>>
      tpu.wait_dma2 semaphore(%arg18 : memref<!tpu.dma_semaphore, #tpu.memory_space<semaphore_mem>>) src(%dma_wait3A_235 : memref<4096xi32, #tpu.memory_space<hbm>>) dst(%arg14 : memref<4096xi32, #tpu.memory_space<vmem>>)
      %ge3A_236 = arith.constant 1 : i32
      %ge3A_237 = arith.cmpi sge, %scan3A_202, %ge3A_236 : i32
      %convert_element_type3A_238 = arith.extui %ge3A_237 : i1 to i32
      %cond3A_239 = arith.constant 0 : i32
      %cond3A_240 = arith.cmpi ne, %convert_element_type3A_238, %cond3A_239 : i32
      scf.if %cond3A_240 {
        %dma_wait3A_255 = arith.constant 0 : i32
        %dma_wait3A_256 = tpu.memref_slice %arg4[%add3A_231, %mul3A_11, %dma_wait3A_255] : memref<200x64x4096xf32, #tpu.memory_space<hbm>> -> memref<1x8x4096xf32, #tpu.memory_space<hbm>>
        %dma_wait3A_257 = tpu.memref_squeeze %dma_wait3A_256 : memref<1x8x4096xf32, #tpu.memory_space<hbm>> -> memref<8x4096xf32, #tpu.memory_space<hbm>>
        %dma_wait3A_258 = arith.constant 0 : i32
        %dma_wait3A_259 = tpu.memref_slice %arg4[%add3A_231, %mul3A_11, %dma_wait3A_258] : memref<200x64x4096xf32, #tpu.memory_space<hbm>> -> memref<1x8x4096xf32, #tpu.memory_space<hbm>>
        %dma_wait3A_260 = tpu.memref_squeeze %dma_wait3A_259 : memref<1x8x4096xf32, #tpu.memory_space<hbm>> -> memref<8x4096xf32, #tpu.memory_space<hbm>>
        tpu.wait_dma2 semaphore(%arg20 : memref<!tpu.dma_semaphore, #tpu.memory_space<semaphore_mem>>) src(%arg16 : memref<8x4096xf32, #tpu.memory_space<vmem>>) dst(%dma_wait3A_260 : memref<8x4096xf32, #tpu.memory_space<hbm>>)
      } else {
      }
      %parallel_loop3A_241 = arith.constant 0 : i32
      %parallel_loop3A_242 = arith.constant 256 : i32
      %parallel_loop3A_243 = arith.constant 1 : i32
      scf.for %parallel_loop3A_255 = %parallel_loop3A_241 to %parallel_loop3A_242 step %parallel_loop3A_243  : i32 {
        %parallel_loop3A_256 = arith.constant 16 : i32
        %parallel_loop3A_257 = arith.muli %parallel_loop3A_255, %parallel_loop3A_256 : i32
        %parallel_loop3A_258 = arith.index_cast %parallel_loop3A_257 : i32 to index
        %parallel_loop3A_259 = tpu.vector_load %arg14[%parallel_loop3A_258] {strides = array<i32>} : memref<4096xi32, #tpu.memory_space<vmem>>, vector<16xi32>,
        %parallel_loop3A_260 = tpu.vector_load_idx %arg5[%parallel_loop3A_259] : memref<4736xf32, #tpu.memory_space<vmem>>[vector<16xi32>], vector<16xf32>,
        %parallel_loop3A_261 = arith.constant 8.000000e+00 : f32
        %parallel_loop3A_262 = vector.broadcast %parallel_loop3A_261 : f32 to vector<16xf32>
        %parallel_loop3A_263 = arith.mulf %parallel_loop3A_260, %parallel_loop3A_262 : vector<16xf32>
        %parallel_loop3A_264 = arith.constant 0 : i32
        %parallel_loop3A_265 = arith.index_cast %parallel_loop3A_264 : i32 to index
        %parallel_loop3A_266 = arith.index_cast %parallel_loop3A_257 : i32 to index
        %parallel_loop3A_267 = tpu.vector_load %arg16[%parallel_loop3A_265, %parallel_loop3A_266] {strides = array<i32>} : memref<8x4096xf32, #tpu.memory_space<vmem>>, vector<16xf32>,
        tpu.vector_store %arg16[%parallel_loop3A_265, %parallel_loop3A_266], %parallel_loop3A_263 {strides = array<i32>} : memref<8x4096xf32, #tpu.memory_space<vmem>>, vector<16xf32>,
        %parallel_loop3A_268 = tpu.vector_load_idx %arg6[%parallel_loop3A_259] : memref<4736xf32, #tpu.memory_space<vmem>>[vector<16xi32>], vector<16xf32>,
        %parallel_loop3A_269 = arith.constant 8.000000e+00 : f32
        %parallel_loop3A_270 = vector.broadcast %parallel_loop3A_269 : f32 to vector<16xf32>
        %parallel_loop3A_271 = arith.mulf %parallel_loop3A_268, %parallel_loop3A_270 : vector<16xf32>
        %parallel_loop3A_272 = arith.constant 1 : i32
        %parallel_loop3A_273 = arith.index_cast %parallel_loop3A_272 : i32 to index
        %parallel_loop3A_274 = arith.index_cast %parallel_loop3A_257 : i32 to index
        %parallel_loop3A_275 = tpu.vector_load %arg16[%parallel_loop3A_273, %parallel_loop3A_274] {strides = array<i32>} : memref<8x4096xf32, #tpu.memory_space<vmem>>, vector<16xf32>,
        tpu.vector_store %arg16[%parallel_loop3A_273, %parallel_loop3A_274], %parallel_loop3A_271 {strides = array<i32>} : memref<8x4096xf32, #tpu.memory_space<vmem>>, vector<16xf32>,
        %parallel_loop3A_276 = tpu.vector_load_idx %arg7[%parallel_loop3A_259] : memref<4736xf32, #tpu.memory_space<vmem>>[vector<16xi32>], vector<16xf32>,
        %parallel_loop3A_277 = arith.constant 8.000000e+00 : f32
        %parallel_loop3A_278 = vector.broadcast %parallel_loop3A_277 : f32 to vector<16xf32>
        %parallel_loop3A_279 = arith.mulf %parallel_loop3A_276, %parallel_loop3A_278 : vector<16xf32>
        %parallel_loop3A_280 = arith.constant 2 : i32
        %parallel_loop3A_281 = arith.index_cast %parallel_loop3A_280 : i32 to index
        %parallel_loop3A_282 = arith.index_cast %parallel_loop3A_257 : i32 to index
        %parallel_loop3A_283 = tpu.vector_load %arg16[%parallel_loop3A_281, %parallel_loop3A_282] {strides = array<i32>} : memref<8x4096xf32, #tpu.memory_space<vmem>>, vector<16xf32>,
        tpu.vector_store %arg16[%parallel_loop3A_281, %parallel_loop3A_282], %parallel_loop3A_279 {strides = array<i32>} : memref<8x4096xf32, #tpu.memory_space<vmem>>, vector<16xf32>,
        %parallel_loop3A_284 = tpu.vector_load_idx %arg8[%parallel_loop3A_259] : memref<4736xf32, #tpu.memory_space<vmem>>[vector<16xi32>], vector<16xf32>,
        %parallel_loop3A_285 = arith.constant 8.000000e+00 : f32
        %parallel_loop3A_286 = vector.broadcast %parallel_loop3A_285 : f32 to vector<16xf32>
        %parallel_loop3A_287 = arith.mulf %parallel_loop3A_284, %parallel_loop3A_286 : vector<16xf32>
        %parallel_loop3A_288 = arith.constant 3 : i32
        %parallel_loop3A_289 = arith.index_cast %parallel_loop3A_288 : i32 to index
        %parallel_loop3A_290 = arith.index_cast %parallel_loop3A_257 : i32 to index
        %parallel_loop3A_291 = tpu.vector_load %arg16[%parallel_loop3A_289, %parallel_loop3A_290] {strides = array<i32>} : memref<8x4096xf32, #tpu.memory_space<vmem>>, vector<16xf32>,
        tpu.vector_store %arg16[%parallel_loop3A_289, %parallel_loop3A_290], %parallel_loop3A_287 {strides = array<i32>} : memref<8x4096xf32, #tpu.memory_space<vmem>>, vector<16xf32>,
        %parallel_loop3A_292 = tpu.vector_load_idx %arg9[%parallel_loop3A_259] : memref<4736xf32, #tpu.memory_space<vmem>>[vector<16xi32>], vector<16xf32>,
        %parallel_loop3A_293 = arith.constant 8.000000e+00 : f32
        %parallel_loop3A_294 = vector.broadcast %parallel_loop3A_293 : f32 to vector<16xf32>
        %parallel_loop3A_295 = arith.mulf %parallel_loop3A_292, %parallel_loop3A_294 : vector<16xf32>
        %parallel_loop3A_296 = arith.constant 4 : i32
        %parallel_loop3A_297 = arith.index_cast %parallel_loop3A_296 : i32 to index
        %parallel_loop3A_298 = arith.index_cast %parallel_loop3A_257 : i32 to index
        %parallel_loop3A_299 = tpu.vector_load %arg16[%parallel_loop3A_297, %parallel_loop3A_298] {strides = array<i32>} : memref<8x4096xf32, #tpu.memory_space<vmem>>, vector<16xf32>,
        tpu.vector_store %arg16[%parallel_loop3A_297, %parallel_loop3A_298], %parallel_loop3A_295 {strides = array<i32>} : memref<8x4096xf32, #tpu.memory_space<vmem>>, vector<16xf32>,
        %parallel_loop3A_300 = tpu.vector_load_idx %arg10[%parallel_loop3A_259] : memref<4736xf32, #tpu.memory_space<vmem>>[vector<16xi32>], vector<16xf32>,
        %parallel_loop3A_301 = arith.constant 8.000000e+00 : f32
        %parallel_loop3A_302 = vector.broadcast %parallel_loop3A_301 : f32 to vector<16xf32>
        %parallel_loop3A_303 = arith.mulf %parallel_loop3A_300, %parallel_loop3A_302 : vector<16xf32>
        %parallel_loop3A_304 = arith.constant 5 : i32
        %parallel_loop3A_305 = arith.index_cast %parallel_loop3A_304 : i32 to index
        %parallel_loop3A_306 = arith.index_cast %parallel_loop3A_257 : i32 to index
        %parallel_loop3A_307 = tpu.vector_load %arg16[%parallel_loop3A_305, %parallel_loop3A_306] {strides = array<i32>} : memref<8x4096xf32, #tpu.memory_space<vmem>>, vector<16xf32>,
        tpu.vector_store %arg16[%parallel_loop3A_305, %parallel_loop3A_306], %parallel_loop3A_303 {strides = array<i32>} : memref<8x4096xf32, #tpu.memory_space<vmem>>, vector<16xf32>,
        %parallel_loop3A_308 = tpu.vector_load_idx %arg11[%parallel_loop3A_259] : memref<4736xf32, #tpu.memory_space<vmem>>[vector<16xi32>], vector<16xf32>,
        %parallel_loop3A_309 = arith.constant 8.000000e+00 : f32
        %parallel_loop3A_310 = vector.broadcast %parallel_loop3A_309 : f32 to vector<16xf32>
        %parallel_loop3A_311 = arith.mulf %parallel_loop3A_308, %parallel_loop3A_310 : vector<16xf32>
        %parallel_loop3A_312 = arith.constant 6 : i32
        %parallel_loop3A_313 = arith.index_cast %parallel_loop3A_312 : i32 to index
        %parallel_loop3A_314 = arith.index_cast %parallel_loop3A_257 : i32 to index
        %parallel_loop3A_315 = tpu.vector_load %arg16[%parallel_loop3A_313, %parallel_loop3A_314] {strides = array<i32>} : memref<8x4096xf32, #tpu.memory_space<vmem>>, vector<16xf32>,
        tpu.vector_store %arg16[%parallel_loop3A_313, %parallel_loop3A_314], %parallel_loop3A_311 {strides = array<i32>} : memref<8x4096xf32, #tpu.memory_space<vmem>>, vector<16xf32>,
        %parallel_loop3A_316 = tpu.vector_load_idx %arg12[%parallel_loop3A_259] : memref<4736xf32, #tpu.memory_space<vmem>>[vector<16xi32>], vector<16xf32>,
        %parallel_loop3A_317 = arith.constant 8.000000e+00 : f32
        %parallel_loop3A_318 = vector.broadcast %parallel_loop3A_317 : f32 to vector<16xf32>
        %parallel_loop3A_319 = arith.mulf %parallel_loop3A_316, %parallel_loop3A_318 : vector<16xf32>
        %parallel_loop3A_320 = arith.constant 7 : i32
        %parallel_loop3A_321 = arith.index_cast %parallel_loop3A_320 : i32 to index
        %parallel_loop3A_322 = arith.index_cast %parallel_loop3A_257 : i32 to index
        %parallel_loop3A_323 = tpu.vector_load %arg16[%parallel_loop3A_321, %parallel_loop3A_322] {strides = array<i32>} : memref<8x4096xf32, #tpu.memory_space<vmem>>, vector<16xf32>,
        tpu.vector_store %arg16[%parallel_loop3A_321, %parallel_loop3A_322], %parallel_loop3A_319 {strides = array<i32>} : memref<8x4096xf32, #tpu.memory_space<vmem>>, vector<16xf32>,
      } {sc.loop_unroll_factor = 16 : i64, sc.parallel_access}
      %lt3A_244 = arith.constant 24 : i32
      %lt3A_245 = arith.cmpi slt, %scan3A_202, %lt3A_244 : i32
      %convert_element_type3A_246 = arith.extui %lt3A_245 : i1 to i32
      %cond3A_247 = arith.constant 0 : i32
      %cond3A_248 = arith.cmpi ne, %convert_element_type3A_246, %cond3A_247 : i32
      scf.if %cond3A_248 {
        %add3A_255 = arith.constant 2 : i32
        %add3A_256 = arith.addi %add3A_231, %add3A_255 : i32
        %mul3A_257 = arith.constant 4096 : i32
        %mul3A_258 = arith.muli %add3A_256, %mul3A_257 : i32
        %dma_start3A_259 = tpu.memref_slice %arg3[%mul3A_258] : memref<819200xi32, #tpu.memory_space<hbm>> -> memref<4096xi32, #tpu.memory_space<hbm>>
        %dma_start3A_260 = tpu.memref_slice %arg3[%mul3A_258] : memref<819200xi32, #tpu.memory_space<hbm>> -> memref<4096xi32, #tpu.memory_space<hbm>>
        tpu.enqueue_dma source(%dma_start3A_260 : memref<4096xi32, #tpu.memory_space<hbm>>) target(%arg14 : memref<4096xi32, #tpu.memory_space<vmem>>) target_semaphore(%arg18 : memref<!tpu.dma_semaphore, #tpu.memory_space<semaphore_mem>>)
      } else {
      }
      %dma_start3A_249 = arith.constant 0 : i32
      %dma_start3A_250 = tpu.memref_slice %arg4[%add3A_231, %mul3A_11, %dma_start3A_249] : memref<200x64x4096xf32, #tpu.memory_space<hbm>> -> memref<1x8x4096xf32, #tpu.memory_space<hbm>>
      %dma_start3A_251 = tpu.memref_squeeze %dma_start3A_250 : memref<1x8x4096xf32, #tpu.memory_space<hbm>> -> memref<8x4096xf32, #tpu.memory_space<hbm>>
      %dma_start3A_252 = arith.constant 0 : i32
      %dma_start3A_253 = tpu.memref_slice %arg4[%add3A_231, %mul3A_11, %dma_start3A_252] : memref<200x64x4096xf32, #tpu.memory_space<hbm>> -> memref<1x8x4096xf32, #tpu.memory_space<hbm>>
      %dma_start3A_254 = tpu.memref_squeeze %dma_start3A_253 : memref<1x8x4096xf32, #tpu.memory_space<hbm>> -> memref<8x4096xf32, #tpu.memory_space<hbm>>
      tpu.enqueue_dma source(%arg16 : memref<8x4096xf32, #tpu.memory_space<vmem>>) target(%dma_start3A_254 : memref<8x4096xf32, #tpu.memory_space<hbm>>) target_semaphore(%arg20 : memref<!tpu.dma_semaphore, #tpu.memory_space<semaphore_mem>>)
    }
    %scan3A_177 = arith.constant 25 : i32
    %add3A_178 = arith.constant 50 : i32
    %add3A_179 = arith.addi %mul3A_34, %add3A_178 : i32
    %sub3A_180 = arith.constant 2 : i32
    %sub3A_181 = arith.subi %add3A_179, %sub3A_180 : i32
    %add3A_182 = arith.constant 0 : i32
    %add3A_183 = arith.addi %sub3A_181, %add3A_182 : i32
    %dma_wait3A_184 = arith.constant 0 : i32
    %dma_wait3A_185 = tpu.memref_slice %arg4[%add3A_183, %mul3A_11, %dma_wait3A_184] : memref<200x64x4096xf32, #tpu.memory_space<hbm>> -> memref<1x8x4096xf32, #tpu.memory_space<hbm>>
    %dma_wait3A_186 = tpu.memref_squeeze %dma_wait3A_185 : memref<1x8x4096xf32, #tpu.memory_space<hbm>> -> memref<8x4096xf32, #tpu.memory_space<hbm>>
    %dma_wait3A_187 = arith.constant 0 : i32
    %dma_wait3A_188 = tpu.memref_slice %arg4[%add3A_183, %mul3A_11, %dma_wait3A_187] : memref<200x64x4096xf32, #tpu.memory_space<hbm>> -> memref<1x8x4096xf32, #tpu.memory_space<hbm>>
    %dma_wait3A_189 = tpu.memref_squeeze %dma_wait3A_188 : memref<1x8x4096xf32, #tpu.memory_space<hbm>> -> memref<8x4096xf32, #tpu.memory_space<hbm>>
    tpu.wait_dma2 semaphore(%arg19 : memref<!tpu.dma_semaphore, #tpu.memory_space<semaphore_mem>>) src(%arg15 : memref<8x4096xf32, #tpu.memory_space<vmem>>) dst(%dma_wait3A_189 : memref<8x4096xf32, #tpu.memory_space<hbm>>)
    %add3A_190 = arith.constant 50 : i32
    %add3A_191 = arith.addi %mul3A_34, %add3A_190 : i32
    %sub3A_192 = arith.constant 2 : i32
    %sub3A_193 = arith.subi %add3A_191, %sub3A_192 : i32
    %add3A_194 = arith.constant 1 : i32
    %add3A_195 = arith.addi %sub3A_193, %add3A_194 : i32
    %dma_wait3A_196 = arith.constant 0 : i32
    %dma_wait3A_197 = tpu.memref_slice %arg4[%add3A_195, %mul3A_11, %dma_wait3A_196] : memref<200x64x4096xf32, #tpu.memory_space<hbm>> -> memref<1x8x4096xf32, #tpu.memory_space<hbm>>
    %dma_wait3A_198 = tpu.memref_squeeze %dma_wait3A_197 : memref<1x8x4096xf32, #tpu.memory_space<hbm>> -> memref<8x4096xf32, #tpu.memory_space<hbm>>
    %dma_wait3A_199 = arith.constant 0 : i32
    %dma_wait3A_200 = tpu.memref_slice %arg4[%add3A_195, %mul3A_11, %dma_wait3A_199] : memref<200x64x4096xf32, #tpu.memory_space<hbm>> -> memref<1x8x4096xf32, #tpu.memory_space<hbm>>
    %dma_wait3A_201 = tpu.memref_squeeze %dma_wait3A_200 : memref<1x8x4096xf32, #tpu.memory_space<hbm>> -> memref<8x4096xf32, #tpu.memory_space<hbm>>
    tpu.wait_dma2 semaphore(%arg20 : memref<!tpu.dma_semaphore, #tpu.memory_space<semaphore_mem>>) src(%arg16 : memref<8x4096xf32, #tpu.memory_space<vmem>>) dst(%dma_wait3A_201 : memref<8x4096xf32, #tpu.memory_space<hbm>>)
    return
  }
}

</mosaic_0001>

<sc_bundles>
// kernel: kernel.3.cloned.1.call-start
scs
__scs_entry_jumppad:
0x0: {  	(pc) =	sbr.rel $0x88, $3  }
0x1: {  	(tag) =	ssettag $0x0;
	lr =	simm.s32 $0x1  }
0x2: {  	[smem:$0x3F9F] =	sst lr;
	_ =	strace $0xD0000000  }
0x3: {  	_ = 	snop  }
0x4: {  	_ = 	snop  }
0x5: {  	_ = 	snop  }
0x6: {  	_ = 	snop  }
0x7: {  	_ = 	snop  }
__scs_overlays_trampoline_lowered:
0x8: {  	[smem:$0x3FAE] =	sst s0  }
0x9: {  	[smem:$0x3FAF] =	sst s1  }
0xa: {  	[smem:$0x3FB0] =	sst s2  }
0xb: {  	[smem:$0x3FB1] =	sst s3  }
0xc: {  	[smem:$0x3FB2] =	sst s4  }
0xd: {  	[smem:$0x3FB3] =	sst s5  }
0xe: {  	[smem:$0x3FB4] =	sst s6  }
0xf: {  	[smem:$0x3FB5] =	sst s7  }
0x10: {  	[smem:$0x3FB6] =	sst s8  }
0x11: {  	[smem:$0x3FB7] =	sst s9;
	s0 =	simm.s32 @!p0 $0x0  }
0x12: {  	s1 =	sld [smem:$0x3F9D];
	s0 =	simm.s32 @p0 $0x1  }
0x13: {  	[smem:$0x3FB8] =	sst s0;
	s0 =	simm.s32 @!p1 $0x0  }
0x14: {  	s2 =	sld [smem:$0x3F9C];
	s0 =	simm.s32 @p1 $0x1  }
0x15: {  	[smem:$0x3FB9] =	sst s0;
	s0 =	simm.s32 @!p2 $0x0  }
0x16: {  	s3 =	sld [smem:$0x3FDB];
	s0 =	simm.s32 @p2 $0x1  }
0x17: {  	s4 =	simm.s32 $0x1BF5;
	[smem:$0x3FBB] =	sst s0  }
0x18: {  	s0 =	sld [smem:$0x3F9E];
	_ =	swait.ge [sflag:s4], $0x0  }
0x19: {  	s7 =	sld [smem:$0x3F9F]  }
0x1a: {  	s8 =	sadd.s32 $0xFFFFE003, lr  }
0x1b: {  	s9 =	sadd.s32 $0xFFFFFEF7, lr;
	s5 =	simm.s32 $0xFFFFFFFF;
	p2 =	slt.u32 s8, $0xFFFFF086  }
0x1c: {  	p1 =	slt.u32 s9, $0xF7A;
	s5 =	simm.s32 @!p2 $0x0  }
0x1d: {  	s5 =	simm.s32 @p1 $0x1;
	p0 =	seq.s32 s7, s2  }
0x1e: {  	s7 =	smul.u32 @!p0 $0xF7A, s2;
	p2 =	seq.s32 @!p0 s5, $0x0  }
0x1f: {  	s9 =	smul.u32 $0xF7A, s1;
	s8 =	simm.s32 @!p0 $0x1BF5;
	p2 =	por !p2, p0  }
0x20: {  	[sflag:s8] =	ssyncset.s32 @!p0 $0xFFFFF086;
	s6 =	sadd.s32 @!p0 s3, s7;
	s7 =	simm.s32 @!p0 $0x108  }
0x21: {  	s3 =	sadd.s32 s3, s9;
	s6 =	sadd.s32 @!p0 $0x88, s6;
	s7 =	simm.s32 @p2 $0x1082  }
0x22: {  	[simem:s7], [sflag:s8] =	dma.local @!p0 [hbm:s6], $0xF7A  }
0x23: {  	s9 =	sor.u32 $0xD0000000, s2;
	s6 =	simm.s32 $0x108;
	_ =	swait.ge @!p0 [sflag:s8], $0x0  }
0x24: {  	s3 =	sadd.s32 $0x88, s3;
	s6 =	simm.s32 @!p1 $0x1082;
	[sflag:s4] =	ssyncset.s32 $0xFFFFF086  }
0x25: {  	[simem:s6], [sflag:s4] =	dma.local [hbm:s3], $0xF7A  }
0x26: {  	[smem:$0x3F9F] =	sst s1;
	(tag) =	ssettag s2;
	_ =	strace s9  }
0x27: {  	s1 =	sld [smem:$0x3FAF]  }
0x28: {  	s2 =	sld [smem:$0x3FB0]  }
0x29: {  	s4 =	sld [smem:$0x3FB2]  }
0x2a: {  	p0 =	seq.s32 s5, $0x0;
	s5 =	sld [smem:$0x3FB3]  }
0x2b: {  	s6 =	sld [smem:$0x3FB4]  }
0x2c: {  	s7 =	sld [smem:$0x3FB5]  }
0x2d: {  	s3 =	simm.s32 $0x108;
	s8 =	sld [smem:$0x3FB6]  }
0x2e: {  	s3 =	simm.s32 @!p0 $0x1082;
	s9 =	sld [smem:$0x3FB7]  }
0x2f: {  	lr =	sadd.s32 s0, s3;
	s0 =	sld [smem:$0x3FAE]  }
0x30: {  	s3 =	sld [smem:$0x3FB1]  }
0x31: {  	[smem:$0x3FBA] =	sst s10  }
0x32: {  	s10 =	sld [smem:$0x3FB8];
	_ =	sdelay $0x3  }
0x33: {  	p0 =	seq.s32 s10, $0x1;
	s10 =	sld [smem:$0x3FBA];
	_ =	sdelay $0x3  }
0x34: {  	[smem:$0x3FBA] =	sst s10  }
0x35: {  	s10 =	sld [smem:$0x3FB9];
	_ =	sdelay $0x3  }
0x36: {  	p1 =	seq.s32 s10, $0x1;
	s10 =	sld [smem:$0x3FBA];
	_ =	sdelay $0x3  }
0x37: {  	[smem:$0x3FBA] =	sst s10  }
0x38: {  	s10 =	sld [smem:$0x3FBB]  }
0x39: {  	_ = 	snop;
	(pc) =	sbr.ind lr, $3  }
0x3a: {  	_ = 	snop  }
0x3b: {  	_ = 	snop  }
0x3c: {  	p2 =	seq.s32 s10, $0x1;
	s10 =	sld [smem:$0x3FBA]  }
0x3d: {  	_ =	shalt  }
0x3e: {  	_ =	shalt  }
0x3f: {  	_ =	shalt  }
0x40: {  	_ =	shalt  }
0x41: {  	_ =	shalt  }
0x42: {  	_ =	shalt  }
0x43: {  	_ =	shalt  }
0x44: {  	_ =	shalt  }
0x45: {  	_ =	shalt  }
0x46: {  	_ =	shalt  }
0x47: {  	_ =	shalt  }
0x48: {  	_ =	shalt  }
0x49: {  	_ =	shalt  }
0x4a: {  	_ =	shalt  }
0x4b: {  	_ =	shalt  }
0x4c: {  	_ =	shalt  }
0x4d: {  	_ =	shalt  }
0x4e: {  	_ =	shalt  }
0x4f: {  	_ =	shalt  }
0x50: {  	_ =	shalt  }
0x51: {  	_ =	shalt  }
0x52: {  	_ =	shalt  }
0x53: {  	_ =	shalt  }
0x54: {  	_ =	shalt  }
0x55: {  	_ =	shalt  }
0x56: {  	_ =	shalt  }
0x57: {  	_ =	shalt  }
0x58: {  	_ =	shalt  }
0x59: {  	_ =	shalt  }
0x5a: {  	_ =	shalt  }
0x5b: {  	_ =	shalt  }
0x5c: {  	_ =	shalt  }
0x5d: {  	_ =	shalt  }
0x5e: {  	_ =	shalt  }
0x5f: {  	_ =	shalt  }
0x60: {  	_ =	shalt  }
0x61: {  	_ =	shalt  }
0x62: {  	_ =	shalt  }
0x63: {  	_ =	shalt  }
0x64: {  	_ =	shalt  }
0x65: {  	_ =	shalt  }
0x66: {  	_ =	shalt  }
0x67: {  	_ =	shalt  }
0x68: {  	_ =	shalt  }
0x69: {  	_ =	shalt  }
0x6a: {  	_ =	shalt  }
0x6b: {  	_ =	shalt  }
0x6c: {  	_ =	shalt  }
0x6d: {  	_ =	shalt  }
0x6e: {  	_ =	shalt  }
0x6f: {  	_ =	shalt  }
0x70: {  	_ =	shalt  }
0x71: {  	_ =	shalt  }
0x72: {  	_ =	shalt  }
0x73: {  	_ =	shalt  }
0x74: {  	_ =	shalt  }
0x75: {  	_ =	shalt  }
0x76: {  	_ =	shalt  }
0x77: {  	_ =	shalt  }
0x78: {  	_ =	shalt  }
0x79: {  	_ =	shalt  }
0x7a: {  	_ =	shalt  }
0x7b: {  	_ =	shalt  }
0x7c: {  	_ =	shalt  }
0x7d: {  	_ =	shalt  }
0x7e: {  	_ =	shalt  }
0x7f: {  	_ =	shalt  }
0x80: {  	_ =	shalt  }
0x81: {  	_ =	shalt  }
0x82: {  	_ =	shalt  }
0x83: {  	_ =	shalt  }
0x84: {  	_ =	shalt  }
0x85: {  	_ =	shalt  }
0x86: {  	_ =	shalt  }
0x87: {  	_ =	shalt  }
.Lfunc_end0:
.L_simem_size_0:
called_computation_lowered:
.L_overlay_start_0:
0x88: {  	s2 =	sld [smem:$0x3FD9]  }
0x89: {  	s3 =	sld [smem:$0x3FFE];
	_ =	sdelay $0x1  }
0x8a: {  	s1 =	srdreg.scid  }
0x8b: {  	s0 =	sand.u32 $0x1, s1  }
0x8c: {  	s17 =	sshll.u32 s0, $0xA;
	s2 =	sadd.s32 s3, s2  }
0x8d: {  	s2 =	sadd.s32 s2, s17  }
0x8e: {  	[smem:$0x3FC6] =	sst s2  }
0x8f: {  	_ = 	snop  }
0x90: {  	s2 =	sld [smem:$0x3FD0];
	(tm) =	ssettm $0x1  }
0x91: {  	s18 =	sld [smem:$0x3FFB];
	_ =	sdelay $0x3  }
0x92: {  	_ =	strace s18  }
0x93: {  	s3 =	sld [smem:$0x3FFC];
	_ =	sdelay $0x3  }
0x94: {  	_ =	strace s3  }
0x95: {  	s3 =	sld [smem:$0x3FFD];
	_ =	sdelay $0x3  }
0x96: {  	_ =	strace s3  }
0x97: {  	_ =	strace $0x8FFFFFFF  }
0x98: {  	s19 =	sld [smem:$0x3FDB];
	_ =	sdelay $0x1  }
0x99: {  	s4 =	simm.s32 $_scs_section_size  }
0x9a: {  	s5 =	simm.s32 $_size__tile_overlayer_lowered;
	s6 =	simm.s32 $_tile_overlayer_lowered  }
0x9b: {  	s22 =	simm.s32 $0x1BFF;
	s21 =	sshll.u32 s6, $0x1;
	s3 =	sadd.s32 s4, s19  }
0x9c: {  	s7 =	simm.s32 $0x0;
	s20 =	sshll.u32 s5, $0x1;
	s5 =	sadd.s32 s21, s3  }
0x9d: {  	[timem:s7], [sflag:s22] =	dma.local [hbm:s5], s20  }
0x9e: {  	_ =	swait.ge [sflag:s22], s20  }
0x9f: {  	s4 =	ssub.s32 $0x0, s20;
	[sflag:s22] =	ssyncset.done $0x0  }
0xa0: {  	[sflag:s22] =	ssyncadd.s32 s4;
	_ =	sdelay $0x1  }
0xa1: {  	s23 =	simm.s32 $0x1B8B  }
0xa2: {  	_ =	swait.ge [sflag:s23], $0x1  }
0xa3: {  	[sflag:s23] =	ssyncset.done $0x0  }
0xa4: {  	s25 =	simm.s32 $0x1B8E;
	s24 =	sld [smem:$0x3FFE];
	[sflag:s23] =	ssyncadd.s32 $0xFFFFFFFF  }
0xa5: {  	s26 =	simm.s32 $execute0_lowered;
	[smem:$0x3FD2] =	sst s25  }
0xa6: {  	s5 =	sshll.u32 s26, $0x1;
	_ =	strace $0x80000046;
	[dreg:$0x1] =	wrdreg $0xFFFFFFFF  }
0xa7: {  	s28 =	simm.s32 $_size_execute0_lowered;
	s3 =	sadd.s32 s3, s5;
	[dreg:$0x0] =	wrdreg $0x0  }
0xa8: {  	s5 =	sshll.u32 s28, $0x1;
	[dreg:$0x2] =	wrdreg s3  }
0xa9: {  	[dreg:$0x3] =	wrdreg s5  }
0xaa: {  	[dreg:$0x4] =	wrdreg $0xC0  }
0xab: {  	_ =	task [dreg:s7], $0x5FFFF  }
0xac: {  	[dreg:$0x1] =	wrdreg $0xFFFFFFFF  }
0xad: {  	[dreg:$0x0] =	wrdreg $0x60  }
0xae: {  	[dreg:$0x2] =	wrdreg s24  }
0xaf: {  	[dreg:$0x3] =	wrdreg s2  }
0xb0: {  	[dreg:$0x4] =	wrdreg $0x9  }
0xb1: {  	_ =	task.clear_ibuf [dreg:s7], $0x5FFFF;
	_ =	strace $0x90000046  }
0xb2: {  	s29 =	simm.s32 $0x9;
	_ =	strace $0x80000048  }
0xb3: {  	_ =	swait.ge [sflag:s29], $0x1  }
0xb4: {  	[sflag:s29] =	ssyncadd.s32 $0xFFFFFFFF  }
0xb5: {  	_ =	strace $0x90000048  }
0xb6: {  	_ =	sfence  }
0xb7: {  	s30 =	sld [smem:$0x0];
	_ =	sdelay $0x2  }
0xb8: {  	s31 =	sshll.u32 s1, $0xD;
	s1 =	sshrl.u32 s1, $0x2  }
0xb9: {  	s3 =	sand.u32 $0x4000, s31;
	s1 =	sadd.s32 s1, s30  }
0xba: {  	s0 =	sor.u32 s3, s0;
	s1 =	sshll.u32 s1, $0x11  }
0xbb: {  	s0 =	sor.u32 s1, s0  }
0xbc: {  	s0 =	sadd.s32 $0x8F2B, s0  }
0xbd: {  	[sflag:s0] =	ssyncadd.remote.s32 $0x1  }
0xbe: {  	_ =	sfence.sel $0xFFFF  }
0xbf: {  	[dreg:$0x0] =	wrdreg $0xFFFFFFFF;
	(pc) =	sbr.abs _section_cstart, $3  }
0xc0: {  	[dreg:$0x1] =	wrdreg $0xFFFFFFFF  }
0xc1: {  	_ =	task.clear_ibuf [dreg:s7], $0x2FFFF;
	_ =	strace $0x9FFFFFFF  }
0xc2: {  	(tm) =	ssettm $0x7FFFFFFF  }
0xc3: {  	_ =	shalt  }
tec
execute0_lowered:
.L_overlay_start_1:
0x0: {  	(tag) =	ssettag $0x1  }
0x1: {  	s6 =	stileid.u32;
	s0 =	rddreg [dreg:$0x0]  }
0x2: {  	s1 =	srdreg.scid;
	s2 =	rddreg [dreg:$0x1];
	s28 =	simm.s32 $0x6F00  }
0x3: {  	s29 =	simm.s32 $0x8180;
	s30 =	simm.s32 $0x5;
	s31 =	simm.s32 $0xB400  }
0x4: {  	s9 =	simm.s32 $0x0;
	s3 =	sshll.u32 s6, $0x1;
	s6 =	sshrl.u32 s6, $0x2  }
0x5: {  	s1 =	sand.u32 $0x1, s1;
	s3 =	sand.u32 $0x6, s3;
	s7 =	smul.u32 $0x6400, s6  }
0x6: {  	s4 =	sor.u32 s1, s3;
	s3 =	simm.s32 $0x0;
	s1 =	ssub.s32 $0x2, s1  }
0x7: {  	s5 =	smul.u32 $0x1280, s4;
	[smem:$0x7FF] =	sst s3;
	s7 =	sadd.s32 s7, s0  }
0x8: {  	s16 =	sshrl.u32 s1, $0x1;
	_ =	strace $0x80000047;
	s25 =	sadd.s32 $0x200, s7  }
0x9: {  	s26 =	sadd.s32 $0x400, s7;
	s8 =	sadd.s32 s5, s0;
	[dreg:$0xb] =	wrdreg s25  }
0xa: {  	s4 =	sshll.u32 s4, $0xC;
	[dreg:$0xc] =	wrdreg s26;
	s17 =	sadd.s32 $0x19200, s8  }
0xb: {  	s1 =	ssub.s32 s1, s16;
	s18 =	sadd.s32 $0x19210, s8;
	[dreg:$0x3] =	wrdreg s17  }
0xc: {  	s16 =	sadd.s32 $0x600, s0;
	s19 =	sadd.s32 $0x19220, s8;
	[dreg:$0x4] =	wrdreg s18  }
0xd: {  	s7 =	simm.s32 $0x3;
	s20 =	sadd.s32 $0x19230, s8;
	[dreg:$0x5] =	wrdreg s19  }
0xe: {  	s5 =	smul.u32 $0x32, s6;
	s21 =	sadd.s32 $0x19240, s8;
	[dreg:$0x6] =	wrdreg s20  }
0xf: {  	s25 =	simm.s32 $0x4A00;
	s22 =	sadd.s32 $0x19250, s8;
	[dreg:$0x7] =	wrdreg s21  }
0x10: {  	s26 =	simm.s32 $0x5C80;
	s23 =	sadd.s32 $0x19260, s8;
	[dreg:$0x8] =	wrdreg s22  }
0x11: {  	s6 =	simm.s32 $0x13400;
	s24 =	sadd.s32 $0x19270, s8;
	[dreg:$0x9] =	wrdreg s23  }
0x12: {  	s8 =	simm.s32 $0x4;
	[dreg:$0xa] =	wrdreg s24;
	s17 =	sadd.s32 $0x800, s0  }
0x13: {  	s18 =	sadd.s32 $0x8000, s2;
	s19 =	smax.u32 s1, $0x1;
	s20 =	simm.s32 $0x80  }
0x14: {  	s21 =	simm.s32 $0x400;
	s22 =	simm.s32 $0x1280;
	s23 =	simm.s32 $0x2500  }
0x15: {  	s24 =	simm.s32 $0x3780;
	s0 =	simm.s32 $0x1;
	s1 =	simm.s32 $0x2  }
.LBB2_1:
0x16: {  	s10 =	rddreg [dreg:$0x3]  }
0x17: {  	[tilespmem:s3], [sflag:$0x5] =	stream.strided.gather [hbm4b:s10+s20], $0x1280, s21, s20, $0x38;
	[tilespmem:$0x1B400] =	vst v63  }
0x18: {  	s11 =	rddreg [dreg:$0x4]  }
0x19: {  	[tilespmem:s22], [sflag:$0x5] =	stream.strided.gather [hbm4b:s11+s20], $0x1280, s21, s20, $0x38;
	[tilespmem:$0x1B400] =	vst v63  }
0x1a: {  	s12 =	rddreg [dreg:$0x5]  }
0x1b: {  	[tilespmem:s23], [sflag:$0x5] =	stream.strided.gather [hbm4b:s12+s20], $0x1280, s21, s20, $0x38;
	[tilespmem:$0x1B400] =	vst v63  }
0x1c: {  	s13 =	rddreg [dreg:$0x6]  }
0x1d: {  	[tilespmem:s24], [sflag:$0x5] =	stream.strided.gather [hbm4b:s13+s20], $0x1280, s21, s20, $0x38;
	[tilespmem:$0x1B400] =	vst v63  }
0x1e: {  	s14 =	rddreg [dreg:$0x7]  }
0x1f: {  	[tilespmem:s25], [sflag:$0x5] =	stream.strided.gather [hbm4b:s14+s20], $0x1280, s21, s20, $0x38;
	[tilespmem:$0x1B400] =	vst v63  }
0x20: {  	s15 =	rddreg [dreg:$0x8]  }
0x21: {  	[tilespmem:s26], [sflag:$0x5] =	stream.strided.gather [hbm4b:s15+s20], $0x1280, s21, s20, $0x38;
	[tilespmem:$0x1B400] =	vst v63  }
0x22: {  	s11 =	rddreg [dreg:$0x9]  }
0x23: {  	[tilespmem:s28], [sflag:$0x5] =	stream.strided.gather [hbm4b:s11+s20], $0x1280, s21, s20, $0x38;
	[tilespmem:$0x1B400] =	vst v63  }
0x24: {  	s12 =	rddreg [dreg:$0xa]  }
0x25: {  	[tilespmem:s29], [sflag:$0x5] =	stream.strided.gather [hbm4b:s12+s20], $0x1280, s21, s20, $0x38;
	[tilespmem:$0x1B400] =	vst v63  }
0x26: {  	_ =	swait.ge [sflag:s30], $0x1280  }
0x27: {  	[sflag:s30] =	ssyncset.done $0x0  }
0x28: {  	[sflag:s30] =	ssyncadd.s32 $0xFFFFED80  }
0x29: {  	_ =	swait.ge [sflag:s30], $0x1280  }
0x2a: {  	[sflag:s30] =	ssyncset.done $0x0  }
0x2b: {  	[sflag:s30] =	ssyncadd.s32 $0xFFFFED80  }
0x2c: {  	_ =	swait.ge [sflag:s30], $0x1280  }
0x2d: {  	[sflag:s30] =	ssyncset.done $0x0  }
0x2e: {  	[sflag:s30] =	ssyncadd.s32 $0xFFFFED80  }
0x2f: {  	_ =	swait.ge [sflag:s30], $0x1280  }
0x30: {  	[sflag:s30] =	ssyncset.done $0x0  }
0x31: {  	[sflag:s30] =	ssyncadd.s32 $0xFFFFED80  }
0x32: {  	_ =	swait.ge [sflag:s30], $0x1280  }
0x33: {  	[sflag:s30] =	ssyncset.done $0x0  }
0x34: {  	[sflag:s30] =	ssyncadd.s32 $0xFFFFED80  }
0x35: {  	_ =	swait.ge [sflag:s30], $0x1280  }
0x36: {  	[sflag:s30] =	ssyncset.done $0x0  }
0x37: {  	[sflag:s30] =	ssyncadd.s32 $0xFFFFED80  }
0x38: {  	_ =	swait.ge [sflag:s30], $0x1280  }
0x39: {  	[sflag:s30] =	ssyncset.done $0x0  }
0x3a: {  	[sflag:s30] =	ssyncadd.s32 $0xFFFFED80  }
0x3b: {  	_ =	swait.ge [sflag:s30], $0x1280  }
0x3c: {  	[sflag:s30] =	ssyncset.done $0x0  }
0x3d: {  	s11 =	simm.s32 $0x9400;
	s13 =	rddreg [dreg:$0xb];
	[sflag:s30] =	ssyncadd.s32 $0xFFFFED80  }
0x3e: {  	[tilespmem:s11], [sflag:$0x1] =	stream.linear.gather [hbm4b:s13+s3], $0x1000, $0x38;
	[tilespmem:$0x1B400] =	vst v63  }
0x3f: {  	s10 =	simm.s32 $0x0;
	s15 =	simm.s32 $0xA400;
	s14 =	rddreg [dreg:$0xc]  }
0x40: {  	[tilespmem:s15], [sflag:$0x2] =	stream.linear.gather [hbm4b:s14+s3], $0x1000, $0x38;
	[tilespmem:$0x1B400] =	vst v63  }
.LBB2_2:
0x41: {  	_ =	swait.ge [sflag:s0], $0x1000  }
0x42: {  	p0 =	seq.s32 s10, $0x0;
	[sflag:s0] =	ssyncset.done $0x0  }
0x43: {  	s11 =	simm.s32 @!p0 $0x3;
	[sflag:s0] =	ssyncadd.s32 $0xFFFFF000  }
0x44: {  	_ =	swait.ge @!p0 [sflag:s11], $0x8000  }
0x45: {  	[sflag:s11] =	ssyncset.done @!p0 $0x0  }
0x46: {  	s14 =	simm.s32 $0x9480;
	[sflag:s11] =	ssyncadd.s32 @!p0 $0xFFFF8000  }
0x47: {  	v15 =	vld [tilespmem:s14+$0x70]  }
0x48: {  	v13 =	vld [tilespmem:s14+$0xFFFFFF90]  }
0x49: {  	v12 =	vld [tilespmem:s14+$0xFFFFFFA0]  }
0x4a: {  	v11 =	vld [tilespmem:s14+$0xFFFFFFB0]  }
0x4b: {  	v10 =	vld [tilespmem:s14+$0xFFFFFFC0]  }
0x4c: {  	v9 =	vld [tilespmem:s14+$0xFFFFFFD0]  }
0x4d: {  	v8 =	vld [tilespmem:s14+$0xFFFFFFE0]  }
0x4e: {  	v7 =	vld [tilespmem:s14+$0xFFFFFFF0]  }
0x4f: {  	v6 =	vld [tilespmem:s14+$0x0]  }
0x50: {  	v5 =	vld [tilespmem:s14+$0x10]  }
0x51: {  	v4 =	vld [tilespmem:s14+$0x20]  }
0x52: {  	v3 =	vld [tilespmem:s14+$0x30]  }
0x53: {  	v2 =	vld [tilespmem:s14+$0x40]  }
0x54: {  	v1 =	vld [tilespmem:s14+$0x50]  }
0x55: {  	v14 =	vld [tilespmem:s14+$0xFFFFFF80]  }
0x56: {  	v0 =	vld.idx.msk [tilespmem:v15+s3+$0x0], $0xffff  }
0x57: {  	v17 =	vld.idx.msk [tilespmem:v13+s3+$0x0], $0xffff  }
0x58: {  	v18 =	vld.idx.msk [tilespmem:v12+s3+$0x0], $0xffff  }
0x59: {  	v19 =	vld.idx.msk [tilespmem:v11+s3+$0x0], $0xffff  }
0x5a: {  	v20 =	vld.idx.msk [tilespmem:v10+s3+$0x0], $0xffff  }
0x5b: {  	v21 =	vld.idx.msk [tilespmem:v9+s3+$0x0], $0xffff  }
0x5c: {  	v22 =	vld.idx.msk [tilespmem:v8+s3+$0x0], $0xffff  }
0x5d: {  	v23 =	vld.idx.msk [tilespmem:v14+s3+$0x0], $0xffff;
	v16 =	vmul.f32 $8.000000000e+00, v0  }
0x5e: {  	s12 =	simm.s32 $0xB800;
	v24 =	vld.idx.msk [tilespmem:v7+s3+$0x0], $0xffff;
	v17 =	vmul.f32 $8.000000000e+00, v17  }
0x5f: {  	v31 =	vld.idx.msk [tilespmem:v6+s3+$0x0], $0xffff;
	v18 =	vmul.f32 $8.000000000e+00, v18;
	[tilespmem:s12+$0x70] =	vst v16  }
0x60: {  	v33 =	vld.idx.msk [tilespmem:v5+s3+$0x0], $0xffff;
	v28 =	vmul.f32 $8.000000000e+00, v19;
	[tilespmem:s12+$0xFFFFFC10] =	vst v17  }
0x61: {  	v35 =	vld.idx.msk [tilespmem:v4+s3+$0x0], $0xffff;
	v30 =	vmul.f32 $8.000000000e+00, v20;
	[tilespmem:s12+$0xFFFFFC20] =	vst v18  }
0x62: {  	v37 =	vld.idx.msk [tilespmem:v3+s3+$0x0], $0xffff;
	v32 =	vmul.f32 $8.000000000e+00, v21;
	[tilespmem:s12+$0xFFFFFC30] =	vst v28  }
0x63: {  	v39 =	vld.idx.msk [tilespmem:v2+s3+$0x0], $0xffff;
	v34 =	vmul.f32 $8.000000000e+00, v22;
	[tilespmem:s12+$0xFFFFFC40] =	vst v30  }
0x64: {  	v40 =	vld.idx.msk [tilespmem:v1+s3+$0x0], $0xffff;
	v36 =	vmul.f32 $8.000000000e+00, v23;
	[tilespmem:s12+$0xFFFFFC50] =	vst v32  }
0x65: {  	v0 =	vld [tilespmem:s14+$0x60];
	v38 =	vmul.f32 $8.000000000e+00, v24;
	[tilespmem:s12+$0xFFFFFC60] =	vst v34  }
0x66: {  	v41 =	vmul.f32 $8.000000000e+00, v31;
	[tilespmem:s12+$0xFFFFFC00] =	vst v36;
	v16 =	vld.idx.msk [tilespmem:v15+s22+$0x0], $0xffff  }
0x67: {  	v20 =	vmul.f32 $8.000000000e+00, v33;
	[tilespmem:s12+$0xFFFFFC70] =	vst v38;
	v43 =	vld.idx.msk [tilespmem:v14+s22+$0x0], $0xffff  }
0x68: {  	v44 =	vmul.f32 $8.000000000e+00, v35;
	[tilespmem:s12+$0x0] =	vst v41;
	v46 =	vld.idx.msk [tilespmem:v13+s22+$0x0], $0xffff  }
0x69: {  	v48 =	vmul.f32 $8.000000000e+00, v39;
	[tilespmem:s12+$0x10] =	vst v20;
	v47 =	vld.idx.msk [tilespmem:v12+s22+$0x0], $0xffff  }
0x6a: {  	v50 =	vmul.f32 $8.000000000e+00, v40;
	[tilespmem:s12+$0x20] =	vst v44;
	v49 =	vld.idx.msk [tilespmem:v11+s22+$0x0], $0xffff  }
0x6b: {  	[tilespmem:s12+$0x40] =	vst v48;
	v51 =	vld.idx.msk [tilespmem:v10+s22+$0x0], $0xffff;
	v16 =	vmul.f32 $8.000000000e+00, v16  }
0x6c: {  	[tilespmem:s12+$0x50] =	vst v50;
	v54 =	vld.idx.msk [tilespmem:v9+s22+$0x0], $0xffff;
	v53 =	vmul.f32 $8.000000000e+00, v43  }
0x6d: {  	v58 =	vld.idx.msk [tilespmem:v7+s22+$0x0], $0xffff;
	v57 =	vmul.f32 $8.000000000e+00, v46;
	[tilespmem:s12+$0xF0] =	vst v16  }
0x6e: {  	v59 =	vld.idx.msk [tilespmem:v6+s22+$0x0], $0xffff;
	v20 =	vmul.f32 $8.000000000e+00, v47;
	[tilespmem:s12+$0xFFFFFC80] =	vst v53  }
0x6f: {  	v32 =	vld.idx.msk [tilespmem:v2+s22+$0x0], $0xffff;
	v60 =	vmul.f32 $8.000000000e+00, v49;
	[tilespmem:s12+$0xFFFFFC90] =	vst v57  }
0x70: {  	v55 =	vld.idx.msk [tilespmem:v8+s22+$0x0], $0xffff;
	v62 =	vmul.f32 $8.000000000e+00, v51;
	[tilespmem:s12+$0xFFFFFCA0] =	vst v20  }
0x71: {  	v63 =	vld.idx.msk [tilespmem:v5+s22+$0x0], $0xffff;
	v28 =	vmul.f32 $8.000000000e+00, v54;
	[tilespmem:s12+$0xFFFFFCB0] =	vst v60  }
0x72: {  	v34 =	vld.idx.msk [tilespmem:v1+s22+$0x0], $0xffff;
	v31 =	vmul.f32 $8.000000000e+00, v58;
	[tilespmem:s12+$0xFFFFFCC0] =	vst v62  }
0x73: {  	v42 =	vld.idx.msk [tilespmem:v0+s3+$0x0], $0xffff;
	v33 =	vmul.f32 $8.000000000e+00, v59;
	[tilespmem:s12+$0xFFFFFCD0] =	vst v28  }
0x74: {  	v19 =	vmul.f32 $8.000000000e+00, v32;
	[tilespmem:s12+$0xFFFFFCF0] =	vst v31;
	v29 =	vld.idx.msk [tilespmem:v15+s23+$0x0], $0xffff  }
0x75: {  	v16 =	vmul.f32 $8.000000000e+00, v37;
	[tilespmem:s12+$0x80] =	vst v33;
	v36 =	vld.idx.msk [tilespmem:v14+s23+$0x0], $0xffff  }
0x76: {  	v37 =	vmul.f32 $8.000000000e+00, v63;
	[tilespmem:s12+$0xC0] =	vst v19;
	v38 =	vld.idx.msk [tilespmem:v13+s23+$0x0], $0xffff  }
0x77: {  	v40 =	vld.idx.msk [tilespmem:v12+s23+$0x0], $0xffff;
	[tilespmem:s12+$0x30] =	vst v16;
	v16 =	vmul.f32 $8.000000000e+00, v55  }
0x78: {  	v41 =	vld.idx.msk [tilespmem:v11+s23+$0x0], $0xffff;
	[tilespmem:s12+$0x90] =	vst v37;
	v52 =	vmul.f32 $8.000000000e+00, v42  }
0x79: {  	v43 =	vld.idx.msk [tilespmem:v10+s23+$0x0], $0xffff;
	v42 =	vmul.f32 $8.000000000e+00, v34;
	[tilespmem:s12+$0xFFFFFCE0] =	vst v16  }
0x7a: {  	v48 =	vld.idx.msk [tilespmem:v7+s23+$0x0], $0xffff;
	[tilespmem:s12+$0x60] =	vst v52;
	v17 =	vmul.f32 $8.000000000e+00, v29  }
0x7b: {  	v50 =	vld.idx.msk [tilespmem:v6+s23+$0x0], $0xffff;
	[tilespmem:s12+$0xD0] =	vst v42;
	v44 =	vmul.f32 $8.000000000e+00, v36  }
0x7c: {  	v30 =	vld.idx.msk [tilespmem:v3+s22+$0x0], $0xffff;
	v46 =	vmul.f32 $8.000000000e+00, v38;
	[tilespmem:s12+$0x170] =	vst v17  }
0x7d: {  	v29 =	vld.idx.msk [tilespmem:v4+s22+$0x0], $0xffff;
	v49 =	vmul.f32 $8.000000000e+00, v40;
	[tilespmem:s12+$0xFFFFFD00] =	vst v44  }
0x7e: {  	v35 =	vld.idx.msk [tilespmem:v0+s22+$0x0], $0xffff;
	v51 =	vmul.f32 $8.000000000e+00, v41;
	[tilespmem:s12+$0xFFFFFD10] =	vst v46  }
0x7f: {  	v58 =	vld.idx.msk [tilespmem:v2+s23+$0x0], $0xffff;
	v53 =	vmul.f32 $8.000000000e+00, v43;
	[tilespmem:s12+$0xFFFFFD20] =	vst v49  }
0x80: {  	v59 =	vmul.f32 $8.000000000e+00, v50;
	v60 =	vld.idx.msk [tilespmem:v1+s23+$0x0], $0xffff;
	[tilespmem:s12+$0xFFFFFD30] =	vst v51  }
0x81: {  	v47 =	vld.idx.msk [tilespmem:v8+s23+$0x0], $0xffff;
	v39 =	vmul.f32 $8.000000000e+00, v30;
	[tilespmem:s12+$0xFFFFFD40] =	vst v53  }
0x82: {  	[tilespmem:s12+$0x100] =	vst v59;
	v45 =	vld.idx.msk [tilespmem:v15+s24+$0x0], $0xffff;
	v23 =	vmul.f32 $8.000000000e+00, v29  }
0x83: {  	v63 =	vld.idx.msk [tilespmem:v14+s24+$0x0], $0xffff;
	[tilespmem:s12+$0xB0] =	vst v39;
	v17 =	vmul.f32 $8.000000000e+00, v35  }
0x84: {  	v28 =	vld.idx.msk [tilespmem:v12+s24+$0x0], $0xffff;
	v29 =	vmul.f32 $8.000000000e+00, v58;
	[tilespmem:s12+$0xA0] =	vst v23  }
0x85: {  	v30 =	vld.idx.msk [tilespmem:v11+s24+$0x0], $0xffff;
	v19 =	vmul.f32 $8.000000000e+00, v60;
	[tilespmem:s12+$0xE0] =	vst v17  }
0x86: {  	v31 =	vld.idx.msk [tilespmem:v10+s24+$0x0], $0xffff;
	v17 =	vmul.f32 $8.000000000e+00, v48;
	[tilespmem:s12+$0x140] =	vst v29  }
0x87: {  	v52 =	vld.idx.msk [tilespmem:v5+s23+$0x0], $0xffff;
	[tilespmem:s12+$0x150] =	vst v19;
	v56 =	vmul.f32 $8.000000000e+00, v45  }
0x88: {  	v57 =	vld.idx.msk [tilespmem:v3+s23+$0x0], $0xffff;
	v33 =	vmul.f32 $8.000000000e+00, v63;
	[tilespmem:s12+$0xFFFFFD70] =	vst v17  }
0x89: {  	v45 =	vld.idx.msk [tilespmem:v9+s23+$0x0], $0xffff;
	v36 =	vmul.f32 $8.000000000e+00, v28;
	[tilespmem:s12+$0x1F0] =	vst v56  }
0x8a: {  	v55 =	vld.idx.msk [tilespmem:v4+s23+$0x0], $0xffff;
	v39 =	vmul.f32 $8.000000000e+00, v30;
	[tilespmem:s12+$0xFFFFFD80] =	vst v33  }
0x8b: {  	v62 =	vld.idx.msk [tilespmem:v0+s23+$0x0], $0xffff;
	v20 =	vmul.f32 $8.000000000e+00, v31;
	[tilespmem:s12+$0xFFFFFDA0] =	vst v36  }
0x8c: {  	v44 =	vld.idx.msk [tilespmem:v2+s24+$0x0], $0xffff;
	v56 =	vmul.f32 $8.000000000e+00, v47;
	[tilespmem:s12+$0xFFFFFDB0] =	vst v39  }
0x8d: {  	v46 =	vld.idx.msk [tilespmem:v1+s24+$0x0], $0xffff;
	v22 =	vmul.f32 $8.000000000e+00, v57;
	[tilespmem:s12+$0xFFFFFDC0] =	vst v20  }
0x8e: {  	v37 =	vld.idx.msk [tilespmem:v7+s24+$0x0], $0xffff;
	[tilespmem:s12+$0xFFFFFD60] =	vst v56;
	v54 =	vmul.f32 $8.000000000e+00, v45  }
0x8f: {  	v61 =	vld.idx.msk [tilespmem:v15+s25+$0x0], $0xffff;
	[tilespmem:s12+$0x130] =	vst v22;
	v27 =	vmul.f32 $8.000000000e+00, v55  }
0x90: {  	v26 =	vld.idx.msk [tilespmem:v13+s24+$0x0], $0xffff;
	v32 =	vmul.f32 $8.000000000e+00, v62;
	[tilespmem:s12+$0xFFFFFD50] =	vst v54  }
0x91: {  	v48 =	vld.idx.msk [tilespmem:v14+s25+$0x0], $0xffff;
	v55 =	vmul.f32 $8.000000000e+00, v44;
	[tilespmem:s12+$0x120] =	vst v27  }
0x92: {  	v56 =	vld.idx.msk [tilespmem:v10+s25+$0x0], $0xffff;
	v57 =	vmul.f32 $8.000000000e+00, v46;
	[tilespmem:s12+$0x160] =	vst v32  }
0x93: {  	v35 =	vld.idx.msk [tilespmem:v8+s24+$0x0], $0xffff;
	v45 =	vmul.f32 $8.000000000e+00, v37;
	[tilespmem:s12+$0x1C0] =	vst v55  }
0x94: {  	v43 =	vld.idx.msk [tilespmem:v3+s24+$0x0], $0xffff;
	[tilespmem:s12+$0x1D0] =	vst v57;
	v18 =	vmul.f32 $8.000000000e+00, v61  }
0x95: {  	v61 =	vmul.f32 $8.000000000e+00, v52;
	v34 =	vld.idx.msk [tilespmem:v9+s24+$0x0], $0xffff;
	[tilespmem:s12+$0xFFFFFDF0] =	vst v45  }
0x96: {  	v41 =	vld.idx.msk [tilespmem:v4+s24+$0x0], $0xffff;
	v60 =	vmul.f32 $8.000000000e+00, v48;
	[tilespmem:s12+$0x270] =	vst v18  }
0x97: {  	v47 =	vld.idx.msk [tilespmem:v0+s24+$0x0], $0xffff;
	v28 =	vmul.f32 $8.000000000e+00, v56;
	[tilespmem:s12+$0x110] =	vst v61  }
0x98: {  	v52 =	vld.idx.msk [tilespmem:v12+s25+$0x0], $0xffff;
	v19 =	vmul.f32 $8.000000000e+00, v35;
	[tilespmem:s12+$0xFFFFFE00] =	vst v60  }
0x99: {  	v33 =	vld.idx.msk [tilespmem:v2+s25+$0x0], $0xffff;
	v53 =	vmul.f32 $8.000000000e+00, v43;
	[tilespmem:s12+$0xFFFFFE40] =	vst v28  }
0x9a: {  	v63 =	vld.idx.msk [tilespmem:v7+s25+$0x0], $0xffff;
	[tilespmem:s12+$0xFFFFFDE0] =	vst v19;
	v42 =	vmul.f32 $8.000000000e+00, v34  }
0x9b: {  	v35 =	vld.idx.msk [tilespmem:v1+s25+$0x0], $0xffff;
	[tilespmem:s12+$0x1B0] =	vst v53;
	v51 =	vmul.f32 $8.000000000e+00, v41  }
0x9c: {  	v18 =	vld.idx.msk [tilespmem:v15+s26+$0x0], $0xffff;
	v59 =	vmul.f32 $8.000000000e+00, v47;
	[tilespmem:s12+$0xFFFFFDD0] =	vst v42  }
0x9d: {  	v40 =	vld.idx.msk [tilespmem:v5+s24+$0x0], $0xffff;
	v24 =	vmul.f32 $8.000000000e+00, v52;
	[tilespmem:s12+$0x1A0] =	vst v51  }
0x9e: {  	v61 =	vld.idx.msk [tilespmem:v8+s25+$0x0], $0xffff;
	v45 =	vmul.f32 $8.000000000e+00, v33;
	[tilespmem:s12+$0x1E0] =	vst v59  }
0x9f: {  	v31 =	vld.idx.msk [tilespmem:v3+s25+$0x0], $0xffff;
	[tilespmem:s12+$0xFFFFFE20] =	vst v24;
	v34 =	vmul.f32 $8.000000000e+00, v63  }
0xa0: {  	v47 =	vmul.f32 $8.000000000e+00, v35;
	[tilespmem:s12+$0x240] =	vst v45;
	v58 =	vld.idx.msk [tilespmem:v9+s25+$0x0], $0xffff  }
0xa1: {  	v18 =	vmul.f32 $8.000000000e+00, v18;
	v29 =	vld.idx.msk [tilespmem:v4+s25+$0x0], $0xffff;
	[tilespmem:s12+$0xFFFFFE70] =	vst v34  }
0xa2: {  	v49 =	vmul.f32 $8.000000000e+00, v40;
	v37 =	vld.idx.msk [tilespmem:v0+s25+$0x0], $0xffff;
	[tilespmem:s12+$0x250] =	vst v47  }
0xa3: {  	v46 =	vld.idx.msk [tilespmem:v10+s26+$0x0], $0xffff;
	[tilespmem:s12+$0x2F0] =	vst v18;
	v32 =	vmul.f32 $8.000000000e+00, v61  }
0xa4: {  	v63 =	vld.idx.msk [tilespmem:v2+s26+$0x0], $0xffff;
	[tilespmem:s12+$0x190] =	vst v49;
	v43 =	vmul.f32 $8.000000000e+00, v31  }
0xa5: {  	v53 =	vld.idx.msk [tilespmem:v7+s26+$0x0], $0xffff;
	[tilespmem:s12+$0xFFFFFE60] =	vst v32;
	v30 =	vmul.f32 $8.000000000e+00, v58  }
0xa6: {  	v18 =	vld.idx.msk [tilespmem:v15+s28+$0x0], $0xffff;
	[tilespmem:s12+$0x230] =	vst v43;
	v41 =	vmul.f32 $8.000000000e+00, v29  }
0xa7: {  	v38 =	vld.idx.msk [tilespmem:v6+s24+$0x0], $0xffff;
	v49 =	vmul.f32 $8.000000000e+00, v37;
	[tilespmem:s12+$0xFFFFFE50] =	vst v30  }
0xa8: {  	v54 =	vld.idx.msk [tilespmem:v11+s25+$0x0], $0xffff;
	v58 =	vmul.f32 $8.000000000e+00, v46;
	[tilespmem:s12+$0x220] =	vst v41  }
0xa9: {  	v27 =	vld.idx.msk [tilespmem:v5+s25+$0x0], $0xffff;
	v35 =	vmul.f32 $8.000000000e+00, v63;
	[tilespmem:s12+$0x260] =	vst v49  }
0xaa: {  	v42 =	vld.idx.msk [tilespmem:v12+s26+$0x0], $0xffff;
	[tilespmem:s12+$0xFFFFFEC0] =	vst v58;
	v24 =	vmul.f32 $8.000000000e+00, v53  }
0xab: {  	v51 =	vld.idx.msk [tilespmem:v8+s26+$0x0], $0xffff;
	[tilespmem:s12+$0x2C0] =	vst v35;
	v25 =	vmul.f32 $8.000000000e+00, v18  }
0xac: {  	v61 =	vld.idx.msk [tilespmem:v3+s26+$0x0], $0xffff;
	v18 =	vmul.f32 $8.000000000e+00, v26;
	[tilespmem:s12+$0xFFFFFEF0] =	vst v24  }
0xad: {  	v26 =	vmul.f32 $8.000000000e+00, v54;
	v48 =	vld.idx.msk [tilespmem:v9+s26+$0x0], $0xffff;
	[tilespmem:s12+$0x370] =	vst v25  }
0xae: {  	v39 =	vmul.f32 $8.000000000e+00, v27;
	v59 =	vld.idx.msk [tilespmem:v4+s26+$0x0], $0xffff;
	[tilespmem:s12+$0xFFFFFD90] =	vst v18  }
0xaf: {  	v54 =	vmul.f32 $8.000000000e+00, v42;
	v27 =	vld.idx.msk [tilespmem:v0+s26+$0x0], $0xffff;
	[tilespmem:s12+$0xFFFFFE30] =	vst v26  }
0xb0: {  	v53 =	vld.idx.msk [tilespmem:v2+s28+$0x0], $0xffff;
	v18 =	vmul.f32 $8.000000000e+00, v38;
	[tilespmem:s12+$0x210] =	vst v39  }
0xb1: {  	[tilespmem:s12+$0xFFFFFEA0] =	vst v54;
	v33 =	vmul.f32 $8.000000000e+00, v61;
	v43 =	vld.idx.msk [tilespmem:v7+s28+$0x0], $0xffff  }
0xb2: {  	v15 =	vld.idx.msk [tilespmem:v15+s29+$0x0], $0xffff;
	[tilespmem:s12+$0x180] =	vst v18;
	v60 =	vmul.f32 $8.000000000e+00, v48  }
0xb3: {  	v50 =	vld.idx.msk [tilespmem:v13+s25+$0x0], $0xffff;
	[tilespmem:s12+$0x2B0] =	vst v33;
	v31 =	vmul.f32 $8.000000000e+00, v59  }
0xb4: {  	v38 =	vld.idx.msk [tilespmem:v14+s26+$0x0], $0xffff;
	v39 =	vmul.f32 $8.000000000e+00, v27;
	[tilespmem:s12+$0xFFFFFED0] =	vst v60  }
0xb5: {  	v44 =	vld.idx.msk [tilespmem:v11+s26+$0x0], $0xffff;
	v61 =	vmul.f32 $8.000000000e+00, v53;
	[tilespmem:s12+$0x2A0] =	vst v31  }
0xb6: {  	v57 =	vld.idx.msk [tilespmem:v5+s26+$0x0], $0xffff;
	[tilespmem:s12+$0x2E0] =	vst v39;
	v54 =	vmul.f32 $8.000000000e+00, v43  }
0xb7: {  	v32 =	vld.idx.msk [tilespmem:v12+s28+$0x0], $0xffff;
	[tilespmem:s12+$0x340] =	vst v61;
	v15 =	vmul.f32 $8.000000000e+00, v15  }
0xb8: {  	v25 =	vld.idx.msk [tilespmem:v6+s25+$0x0], $0xffff;
	v62 =	vmul.f32 $8.000000000e+00, v50;
	[tilespmem:s12+$0xFFFFFF70] =	vst v54  }
0xb9: {  	v50 =	vmul.f32 $8.000000000e+00, v38;
	v38 =	vld.idx.msk [tilespmem:v9+s28+$0x0], $0xffff;
	[tilespmem:s12+$0x3F0] =	vst v15  }
0xba: {  	v56 =	vmul.f32 $8.000000000e+00, v44;
	v49 =	vld.idx.msk [tilespmem:v4+s28+$0x0], $0xffff;
	[tilespmem:s12+$0xFFFFFE10] =	vst v62  }
0xbb: {  	v29 =	vmul.f32 $8.000000000e+00, v57;
	v57 =	vld.idx.msk [tilespmem:v0+s28+$0x0], $0xffff;
	[tilespmem:s12+$0xFFFFFE80] =	vst v50  }
0xbc: {  	v44 =	vmul.f32 $8.000000000e+00, v32;
	v2 =	vld.idx.msk [tilespmem:v2+s29+$0x0], $0xffff;
	[tilespmem:s12+$0xFFFFFEB0] =	vst v56  }
0xbd: {  	v36 =	vmul.f32 $8.000000000e+00, v25;
	v25 =	vld.idx.msk [tilespmem:v1+s26+$0x0], $0xffff;
	[tilespmem:s12+$0x290] =	vst v29  }
0xbe: {  	v62 =	vmul.f32 $8.000000000e+00, v51;
	[tilespmem:s12+$0xFFFFFF20] =	vst v44;
	v51 =	vld.idx.msk [tilespmem:v3+s28+$0x0], $0xffff  }
0xbf: {  	v40 =	vld.idx.msk [tilespmem:v13+s26+$0x0], $0xffff;
	[tilespmem:s12+$0x200] =	vst v36;
	v50 =	vmul.f32 $8.000000000e+00, v38  }
0xc0: {  	v28 =	vld.idx.msk [tilespmem:v14+s28+$0x0], $0xffff;
	[tilespmem:s12+$0xFFFFFEE0] =	vst v62;
	v59 =	vmul.f32 $8.000000000e+00, v49  }
0xc1: {  	v55 =	vld.idx.msk [tilespmem:v6+s26+$0x0], $0xffff;
	v63 =	vmul.f32 $8.000000000e+00, v57;
	[tilespmem:s12+$0xFFFFFF50] =	vst v50  }
0xc2: {  	v34 =	vld.idx.msk [tilespmem:v11+s28+$0x0], $0xffff;
	v37 =	vmul.f32 $8.000000000e+00, v25;
	[tilespmem:s12+$0x320] =	vst v59  }
0xc3: {  	v47 =	vld.idx.msk [tilespmem:v5+s28+$0x0], $0xffff;
	v60 =	vmul.f32 $8.000000000e+00, v51;
	[tilespmem:s12+$0x360] =	vst v63  }
0xc4: {  	v12 =	vld.idx.msk [tilespmem:v12+s29+$0x0], $0xffff;
	v52 =	vmul.f32 $8.000000000e+00, v40;
	[tilespmem:s12+$0x2D0] =	vst v37  }
0xc5: {  	v36 =	vld.idx.msk [tilespmem:v10+s28+$0x0], $0xffff;
	v40 =	vmul.f32 $8.000000000e+00, v28;
	[tilespmem:s12+$0x330] =	vst v60  }
0xc6: {  	v41 =	vld.idx.msk [tilespmem:v8+s28+$0x0], $0xffff;
	[tilespmem:s12+$0xFFFFFE90] =	vst v52;
	v26 =	vmul.f32 $8.000000000e+00, v55  }
0xc7: {  	v46 =	vmul.f32 $8.000000000e+00, v34;
	[tilespmem:s12+$0xFFFFFF00] =	vst v40;
	v30 =	vld.idx.msk [tilespmem:v13+s28+$0x0], $0xffff  }
0xc8: {  	v58 =	vmul.f32 $8.000000000e+00, v47;
	v9 =	vld.idx.msk [tilespmem:v9+s29+$0x0], $0xffff;
	[tilespmem:s12+$0x280] =	vst v26  }
0xc9: {  	v12 =	vmul.f32 $8.000000000e+00, v12;
	[tilespmem:s12+$0xFFFFFF30] =	vst v46;
	v45 =	vld.idx.msk [tilespmem:v6+s28+$0x0], $0xffff  }
0xca: {  	v48 =	vmul.f32 $8.000000000e+00, v36;
	v55 =	vld.idx.msk [tilespmem:v1+s28+$0x0], $0xffff;
	[tilespmem:s12+$0x310] =	vst v58  }
0xcb: {  	v52 =	vmul.f32 $8.000000000e+00, v41;
	[tilespmem:s12+$0xFFFFFFA0] =	vst v12;
	v14 =	vld.idx.msk [tilespmem:v14+s29+$0x0], $0xffff  }
0xcc: {  	[tilespmem:s12+$0xFFFFFF40] =	vst v48;
	v11 =	vld.idx.msk [tilespmem:v11+s29+$0x0], $0xffff;
	v42 =	vmul.f32 $8.000000000e+00, v30  }
0xcd: {  	[tilespmem:s12+$0xFFFFFF60] =	vst v52;
	v10 =	vld.idx.msk [tilespmem:v10+s29+$0x0], $0xffff;
	v9 =	vmul.f32 $8.000000000e+00, v9  }
0xce: {  	v8 =	vld.idx.msk [tilespmem:v8+s29+$0x0], $0xffff;
	[tilespmem:s12+$0xFFFFFF10] =	vst v42;
	v56 =	vmul.f32 $8.000000000e+00, v45  }
0xcf: {  	v62 =	vmul.f32 $8.000000000e+00, v55;
	[tilespmem:s12+$0xFFFFFFD0] =	vst v9;
	v13 =	vld.idx.msk [tilespmem:v13+s29+$0x0], $0xffff  }
0xd0: {  	v7 =	vld.idx.msk [tilespmem:v7+s29+$0x0], $0xffff;
	v14 =	vmul.f32 $8.000000000e+00, v14;
	[tilespmem:s12+$0x300] =	vst v56  }
0xd1: {  	v11 =	vmul.f32 $8.000000000e+00, v11;
	[tilespmem:s12+$0x350] =	vst v62;
	v6 =	vld.idx.msk [tilespmem:v6+s29+$0x0], $0xffff  }
0xd2: {  	v5 =	vld.idx.msk [tilespmem:v5+s29+$0x0], $0xffff;
	v10 =	vmul.f32 $8.000000000e+00, v10;
	[tilespmem:s12+$0xFFFFFF80] =	vst v14  }
0xd3: {  	v4 =	vld.idx.msk [tilespmem:v4+s29+$0x0], $0xffff;
	[tilespmem:s12+$0xFFFFFFB0] =	vst v11;
	v8 =	vmul.f32 $8.000000000e+00, v8  }
0xd4: {  	v3 =	vld.idx.msk [tilespmem:v3+s29+$0x0], $0xffff;
	[tilespmem:s12+$0xFFFFFFC0] =	vst v10;
	v13 =	vmul.f32 $8.000000000e+00, v13  }
0xd5: {  	s15 =	sshll.u32 s10, $0x1;
	v7 =	vmul.f32 $8.000000000e+00, v7;
	v0 =	vld.idx.msk [tilespmem:v0+s29+$0x0], $0xffff;
	[tilespmem:s12+$0xFFFFFFE0] =	vst v8  }
0xd6: {  	s13 =	sadd.s32 s5, s15;
	s11 =	simm.s32 $0x0;
	s14 =	simm.s32 $0x9580;
	v1 =	vld.idx.msk [tilespmem:v1+s29+$0x0], $0xffff;
	[tilespmem:s12+$0xFFFFFF90] =	vst v13;
	v6 =	vmul.f32 $8.000000000e+00, v6  }
.LBB2_3:
0xd7: {  	v15 =	vld [tilespmem:s14+$0x70];
	s11 =	sadd.s32 $0x10, s11;
	[tilespmem:s12+$0xFFFFFFF0] =	vst v7;
	v5 =	vmul.f32 $8.000000000e+00, v5  }
0xd8: {  	v4 =	vmul.f32 $8.000000000e+00, v4;
	v8 =	vld [tilespmem:s14+$0xFFFFFF90];
	p1 =	slt.u32 s11, $0xF0;
	[tilespmem:s12+$0x380] =	vst v6  }
0xd9: {  	v3 =	vmul.f32 $8.000000000e+00, v3;
	v10 =	vld [tilespmem:s14+$0xFFFFFFA0];
	[tilespmem:s12+$0x390] =	vst v5  }
0xda: {  	v2 =	vmul.f32 $8.000000000e+00, v2;
	v11 =	vld [tilespmem:s14+$0xFFFFFFB0];
	[tilespmem:s12+$0x3A0] =	vst v4  }
0xdb: {  	v1 =	vmul.f32 $8.000000000e+00, v1;
	v12 =	vld [tilespmem:s14+$0xFFFFFFC0];
	[tilespmem:s12+$0x3B0] =	vst v3  }
0xdc: {  	v0 =	vmul.f32 $8.000000000e+00, v0;
	v13 =	vld [tilespmem:s14+$0xFFFFFFD0];
	[tilespmem:s12+$0x3C0] =	vst v2  }
0xdd: {  	v9 =	vld [tilespmem:s14+$0xFFFFFFE0];
	[tilespmem:s12+$0x3D0] =	vst v1  }
0xde: {  	v6 =	vld [tilespmem:s14+$0xFFFFFFF0];
	[tilespmem:s12+$0x3E0] =	vst v0  }
0xdf: {  	v0 =	vld.idx.msk [tilespmem:v15+s3+$0x0], $0xffff  }
0xe0: {  	v7 =	vld [tilespmem:s14+$0x0]  }
0xe1: {  	v5 =	vld [tilespmem:s14+$0x10]  }
0xe2: {  	v4 =	vld [tilespmem:s14+$0x20]  }
0xe3: {  	v3 =	vld [tilespmem:s14+$0x30]  }
0xe4: {  	v2 =	vld [tilespmem:s14+$0x40]  }
0xe5: {  	v16 =	vmul.f32 $8.000000000e+00, v0;
	v1 =	vld [tilespmem:s14+$0x50]  }
0xe6: {  	s12 =	sadd.s32 $0x800, s12;
	v0 =	vld [tilespmem:s14+$0x60]  }
0xe7: {  	v14 =	vld [tilespmem:s14+$0xFFFFFF80];
	[tilespmem:s12+$0x70] =	vst v16  }
0xe8: {  	v16 =	vld.idx.msk [tilespmem:v15+s22+$0x0], $0xffff  }
0xe9: {  	v17 =	vld.idx.msk [tilespmem:v8+s3+$0x0], $0xffff  }
0xea: {  	v18 =	vld.idx.msk [tilespmem:v10+s3+$0x0], $0xffff  }
0xeb: {  	v19 =	vld.idx.msk [tilespmem:v11+s3+$0x0], $0xffff  }
0xec: {  	v20 =	vld.idx.msk [tilespmem:v12+s3+$0x0], $0xffff  }
0xed: {  	v21 =	vld.idx.msk [tilespmem:v13+s3+$0x0], $0xffff  }
0xee: {  	v16 =	vmul.f32 $8.000000000e+00, v16;
	v22 =	vld.idx.msk [tilespmem:v9+s3+$0x0], $0xffff  }
0xef: {  	v17 =	vmul.f32 $8.000000000e+00, v17;
	v23 =	vld.idx.msk [tilespmem:v14+s3+$0x0], $0xffff  }
0xf0: {  	v18 =	vmul.f32 $8.000000000e+00, v18;
	v24 =	vld.idx.msk [tilespmem:v6+s3+$0x0], $0xffff;
	[tilespmem:s12+$0xF0] =	vst v16  }
0xf1: {  	v16 =	vmul.f32 $8.000000000e+00, v19;
	[tilespmem:s12+$0xFFFFFC10] =	vst v17;
	v17 =	vld.idx.msk [tilespmem:v15+s23+$0x0], $0xffff  }
0xf2: {  	[tilespmem:s12+$0xFFFFFC20] =	vst v18;
	v18 =	vmul.f32 $8.000000000e+00, v20;
	v19 =	vld.idx.msk [tilespmem:v7+s3+$0x0], $0xffff  }
0xf3: {  	[tilespmem:s12+$0xFFFFFC30] =	vst v16;
	v16 =	vmul.f32 $8.000000000e+00, v21;
	v20 =	vld.idx.msk [tilespmem:v5+s3+$0x0], $0xffff  }
0xf4: {  	[tilespmem:s12+$0xFFFFFC40] =	vst v18;
	v18 =	vmul.f32 $8.000000000e+00, v22;
	v21 =	vld.idx.msk [tilespmem:v4+s3+$0x0], $0xffff  }
0xf5: {  	v22 =	vmul.f32 $8.000000000e+00, v23;
	[tilespmem:s12+$0xFFFFFC50] =	vst v16;
	v16 =	vld.idx.msk [tilespmem:v3+s3+$0x0], $0xffff  }
0xf6: {  	[tilespmem:s12+$0xFFFFFC60] =	vst v18;
	v18 =	vmul.f32 $8.000000000e+00, v24;
	v23 =	vld.idx.msk [tilespmem:v2+s3+$0x0], $0xffff  }
0xf7: {  	v17 =	vmul.f32 $8.000000000e+00, v17;
	[tilespmem:s12+$0xFFFFFC00] =	vst v22;
	v22 =	vld.idx.msk [tilespmem:v1+s3+$0x0], $0xffff  }
0xf8: {  	[tilespmem:s12+$0xFFFFFC70] =	vst v18;
	v18 =	vmul.f32 $8.000000000e+00, v19;
	v19 =	vld.idx.msk [tilespmem:v0+s3+$0x0], $0xffff  }
0xf9: {  	v20 =	vmul.f32 $8.000000000e+00, v20;
	v24 =	vld.idx.msk [tilespmem:v14+s22+$0x0], $0xffff;
	[tilespmem:s12+$0x170] =	vst v17  }
0xfa: {  	v17 =	vmul.f32 $8.000000000e+00, v21;
	[tilespmem:s12+$0x0] =	vst v18;
	v18 =	vld.idx.msk [tilespmem:v15+s24+$0x0], $0xffff  }
0xfb: {  	v16 =	vmul.f32 $8.000000000e+00, v16;
	v21 =	vld.idx.msk [tilespmem:v8+s22+$0x0], $0xffff;
	[tilespmem:s12+$0x10] =	vst v20  }
0xfc: {  	v20 =	vld.idx.msk [tilespmem:v10+s22+$0x0], $0xffff;
	[tilespmem:s12+$0x20] =	vst v17;
	v17 =	vmul.f32 $8.000000000e+00, v23  }
0xfd: {  	v23 =	vld.idx.msk [tilespmem:v11+s22+$0x0], $0xffff;
	[tilespmem:s12+$0x30] =	vst v16;
	v16 =	vmul.f32 $8.000000000e+00, v22  }
0xfe: {  	v22 =	vld.idx.msk [tilespmem:v12+s22+$0x0], $0xffff;
	[tilespmem:s12+$0x40] =	vst v17;
	v17 =	vmul.f32 $8.000000000e+00, v19  }
0xff: {  	v19 =	vmul.f32 $8.000000000e+00, v24;
	v24 =	vld.idx.msk [tilespmem:v13+s22+$0x0], $0xffff;
	[tilespmem:s12+$0x50] =	vst v16  }
0x100: {  	v16 =	vld.idx.msk [tilespmem:v9+s22+$0x0], $0xffff;
	[tilespmem:s12+$0x60] =	vst v17;
	v17 =	vmul.f32 $8.000000000e+00, v18  }
0x101: {  	v18 =	vmul.f32 $8.000000000e+00, v21;
	[tilespmem:s12+$0xFFFFFC80] =	vst v19;
	v19 =	vld.idx.msk [tilespmem:v6+s22+$0x0], $0xffff  }
0x102: {  	v20 =	vmul.f32 $8.000000000e+00, v20;
	v21 =	vld.idx.msk [tilespmem:v7+s22+$0x0], $0xffff;
	[tilespmem:s12+$0x1F0] =	vst v17  }
0x103: {  	v17 =	vmul.f32 $8.000000000e+00, v23;
	[tilespmem:s12+$0xFFFFFC90] =	vst v18;
	v18 =	vld.idx.msk [tilespmem:v15+s25+$0x0], $0xffff  }
0x104: {  	[tilespmem:s12+$0xFFFFFCA0] =	vst v20;
	v20 =	vmul.f32 $8.000000000e+00, v22;
	v22 =	vld.idx.msk [tilespmem:v5+s22+$0x0], $0xffff  }
0x105: {  	[tilespmem:s12+$0xFFFFFCB0] =	vst v17;
	v17 =	vmul.f32 $8.000000000e+00, v24;
	v23 =	vld.idx.msk [tilespmem:v4+s22+$0x0], $0xffff  }
0x106: {  	v16 =	vmul.f32 $8.000000000e+00, v16;
	[tilespmem:s12+$0xFFFFFCC0] =	vst v20;
	v20 =	vld.idx.msk [tilespmem:v3+s22+$0x0], $0xffff  }
0x107: {  	[tilespmem:s12+$0xFFFFFCD0] =	vst v17;
	v17 =	vmul.f32 $8.000000000e+00, v19;
	v19 =	vld.idx.msk [tilespmem:v2+s22+$0x0], $0xffff  }
0x108: {  	[tilespmem:s12+$0xFFFFFCE0] =	vst v16;
	v16 =	vmul.f32 $8.000000000e+00, v21;
	v21 =	vld.idx.msk [tilespmem:v1+s22+$0x0], $0xffff  }
0x109: {  	v18 =	vmul.f32 $8.000000000e+00, v18;
	[tilespmem:s12+$0xFFFFFCF0] =	vst v17;
	v17 =	vld.idx.msk [tilespmem:v0+s22+$0x0], $0xffff  }
0x10a: {  	v24 =	vld.idx.msk [tilespmem:v14+s23+$0x0], $0xffff;
	[tilespmem:s12+$0x80] =	vst v16;
	v16 =	vmul.f32 $8.000000000e+00, v22  }
0x10b: {  	v23 =	vmul.f32 $8.000000000e+00, v23;
	v22 =	vld.idx.msk [tilespmem:v8+s23+$0x0], $0xffff;
	[tilespmem:s12+$0x270] =	vst v18  }
0x10c: {  	[tilespmem:s12+$0x90] =	vst v16;
	v16 =	vmul.f32 $8.000000000e+00, v20;
	v18 =	vld.idx.msk [tilespmem:v15+s26+$0x0], $0xffff  }
0x10d: {  	v19 =	vmul.f32 $8.000000000e+00, v19;
	v20 =	vld.idx.msk [tilespmem:v10+s23+$0x0], $0xffff;
	[tilespmem:s12+$0xA0] =	vst v23  }
0x10e: {  	v23 =	vld.idx.msk [tilespmem:v11+s23+$0x0], $0xffff;
	[tilespmem:s12+$0xB0] =	vst v16;
	v16 =	vmul.f32 $8.000000000e+00, v21  }
0x10f: {  	v17 =	vmul.f32 $8.000000000e+00, v17;
	v21 =	vld.idx.msk [tilespmem:v12+s23+$0x0], $0xffff;
	[tilespmem:s12+$0xC0] =	vst v19  }
0x110: {  	v19 =	vmul.f32 $8.000000000e+00, v24;
	v24 =	vld.idx.msk [tilespmem:v13+s23+$0x0], $0xffff;
	[tilespmem:s12+$0xD0] =	vst v16  }
0x111: {  	v16 =	vmul.f32 $8.000000000e+00, v22;
	v22 =	vld.idx.msk [tilespmem:v9+s23+$0x0], $0xffff;
	[tilespmem:s12+$0xE0] =	vst v17  }
0x112: {  	v18 =	vmul.f32 $8.000000000e+00, v18;
	[tilespmem:s12+$0xFFFFFD00] =	vst v19;
	v17 =	vld.idx.msk [tilespmem:v6+s23+$0x0], $0xffff  }
0x113: {  	[tilespmem:s12+$0xFFFFFD10] =	vst v16;
	v16 =	vmul.f32 $8.000000000e+00, v20;
	v19 =	vld.idx.msk [tilespmem:v7+s23+$0x0], $0xffff  }
0x114: {  	v20 =	vmul.f32 $8.000000000e+00, v23;
	v23 =	vld.idx.msk [tilespmem:v5+s23+$0x0], $0xffff;
	[tilespmem:s12+$0x2F0] =	vst v18  }
0x115: {  	[tilespmem:s12+$0xFFFFFD20] =	vst v16;
	v16 =	vmul.f32 $8.000000000e+00, v21;
	v18 =	vld.idx.msk [tilespmem:v15+s28+$0x0], $0xffff  }
0x116: {  	[tilespmem:s12+$0xFFFFFD30] =	vst v20;
	v20 =	vmul.f32 $8.000000000e+00, v24;
	v21 =	vld.idx.msk [tilespmem:v4+s23+$0x0], $0xffff  }
0x117: {  	[tilespmem:s12+$0xFFFFFD40] =	vst v16;
	v16 =	vmul.f32 $8.000000000e+00, v22;
	v22 =	vld.idx.msk [tilespmem:v3+s23+$0x0], $0xffff  }
0x118: {  	v17 =	vmul.f32 $8.000000000e+00, v17;
	[tilespmem:s12+$0xFFFFFD50] =	vst v20;
	v20 =	vld.idx.msk [tilespmem:v2+s23+$0x0], $0xffff  }
0x119: {  	[tilespmem:s12+$0xFFFFFD60] =	vst v16;
	v16 =	vmul.f32 $8.000000000e+00, v19;
	v19 =	vld.idx.msk [tilespmem:v1+s23+$0x0], $0xffff  }
0x11a: {  	[tilespmem:s12+$0xFFFFFD70] =	vst v17;
	v17 =	vmul.f32 $8.000000000e+00, v23;
	v23 =	vld.idx.msk [tilespmem:v0+s23+$0x0], $0xffff  }
0x11b: {  	v24 =	vld.idx.msk [tilespmem:v14+s24+$0x0], $0xffff;
	[tilespmem:s12+$0x100] =	vst v16;
	v16 =	vmul.f32 $8.000000000e+00, v18  }
0x11c: {  	v18 =	vld.idx.msk [tilespmem:v8+s24+$0x0], $0xffff;
	[tilespmem:s12+$0x110] =	vst v17;
	v17 =	vmul.f32 $8.000000000e+00, v21  }
0x11d: {  	v22 =	vmul.f32 $8.000000000e+00, v22;
	v21 =	vld.idx.msk [tilespmem:v10+s24+$0x0], $0xffff;
	[tilespmem:s12+$0x370] =	vst v16  }
0x11e: {  	v16 =	vmul.f32 $8.000000000e+00, v20;
	[tilespmem:s12+$0x120] =	vst v17;
	v15 =	vld.idx.msk [tilespmem:v15+s29+$0x0], $0xffff  }
0x11f: {  	v19 =	vmul.f32 $8.000000000e+00, v19;
	v17 =	vld.idx.msk [tilespmem:v11+s24+$0x0], $0xffff;
	[tilespmem:s12+$0x130] =	vst v22  }
0x120: {  	v20 =	vld.idx.msk [tilespmem:v12+s24+$0x0], $0xffff;
	[tilespmem:s12+$0x140] =	vst v16;
	v16 =	vmul.f32 $8.000000000e+00, v23  }
0x121: {  	v22 =	vmul.f32 $8.000000000e+00, v24;
	v23 =	vld.idx.msk [tilespmem:v13+s24+$0x0], $0xffff;
	[tilespmem:s12+$0x150] =	vst v19  }
0x122: {  	v18 =	vmul.f32 $8.000000000e+00, v18;
	v19 =	vld.idx.msk [tilespmem:v9+s24+$0x0], $0xffff;
	[tilespmem:s12+$0x160] =	vst v16  }
0x123: {  	v16 =	vmul.f32 $8.000000000e+00, v21;
	[tilespmem:s12+$0xFFFFFD80] =	vst v22;
	v21 =	vld.idx.msk [tilespmem:v6+s24+$0x0], $0xffff  }
0x124: {  	v15 =	vmul.f32 $8.000000000e+00, v15;
	[tilespmem:s12+$0xFFFFFD90] =	vst v18;
	v18 =	vld.idx.msk [tilespmem:v7+s24+$0x0], $0xffff  }
0x125: {  	[tilespmem:s12+$0xFFFFFDA0] =	vst v16;
	v16 =	vmul.f32 $8.000000000e+00, v17;
	v17 =	vld.idx.msk [tilespmem:v5+s24+$0x0], $0xffff  }
0x126: {  	v20 =	vmul.f32 $8.000000000e+00, v20;
	v22 =	vld.idx.msk [tilespmem:v4+s24+$0x0], $0xffff;
	[tilespmem:s12+$0x3F0] =	vst v15  }
0x127: {  	v15 =	vmul.f32 $8.000000000e+00, v23;
	[tilespmem:s12+$0xFFFFFDB0] =	vst v16;
	v16 =	vld.idx.msk [tilespmem:v3+s24+$0x0], $0xffff  }
0x128: {  	v19 =	vmul.f32 $8.000000000e+00, v19;
	[tilespmem:s12+$0xFFFFFDC0] =	vst v20;
	v20 =	vld.idx.msk [tilespmem:v2+s24+$0x0], $0xffff  }
0x129: {  	[tilespmem:s12+$0xFFFFFDD0] =	vst v15;
	v15 =	vmul.f32 $8.000000000e+00, v21;
	v21 =	vld.idx.msk [tilespmem:v1+s24+$0x0], $0xffff  }
0x12a: {  	v18 =	vmul.f32 $8.000000000e+00, v18;
	[tilespmem:s12+$0xFFFFFDE0] =	vst v19;
	v19 =	vld.idx.msk [tilespmem:v0+s24+$0x0], $0xffff  }
0x12b: {  	v23 =	vld.idx.msk [tilespmem:v14+s25+$0x0], $0xffff;
	[tilespmem:s12+$0xFFFFFDF0] =	vst v15;
	v15 =	vmul.f32 $8.000000000e+00, v17  }
0x12c: {  	v17 =	vld.idx.msk [tilespmem:v8+s25+$0x0], $0xffff;
	[tilespmem:s12+$0x180] =	vst v18;
	v18 =	vmul.f32 $8.000000000e+00, v22  }
0x12d: {  	v22 =	vld.idx.msk [tilespmem:v10+s25+$0x0], $0xffff;
	[tilespmem:s12+$0x190] =	vst v15;
	v15 =	vmul.f32 $8.000000000e+00, v16  }
0x12e: {  	v16 =	vld.idx.msk [tilespmem:v11+s25+$0x0], $0xffff;
	[tilespmem:s12+$0x1A0] =	vst v18;
	v18 =	vmul.f32 $8.000000000e+00, v20  }
0x12f: {  	v20 =	vld.idx.msk [tilespmem:v12+s25+$0x0], $0xffff;
	[tilespmem:s12+$0x1B0] =	vst v15;
	v15 =	vmul.f32 $8.000000000e+00, v21  }
0x130: {  	v21 =	vld.idx.msk [tilespmem:v13+s25+$0x0], $0xffff;
	[tilespmem:s12+$0x1C0] =	vst v18;
	v18 =	vmul.f32 $8.000000000e+00, v19  }
0x131: {  	v19 =	vmul.f32 $8.000000000e+00, v23;
	v23 =	vld.idx.msk [tilespmem:v9+s25+$0x0], $0xffff;
	[tilespmem:s12+$0x1D0] =	vst v15  }
0x132: {  	v15 =	vmul.f32 $8.000000000e+00, v17;
	v17 =	vld.idx.msk [tilespmem:v6+s25+$0x0], $0xffff;
	[tilespmem:s12+$0x1E0] =	vst v18  }
0x133: {  	v18 =	vmul.f32 $8.000000000e+00, v22;
	[tilespmem:s12+$0xFFFFFE00] =	vst v19;
	v19 =	vld.idx.msk [tilespmem:v7+s25+$0x0], $0xffff  }
0x134: {  	[tilespmem:s12+$0xFFFFFE10] =	vst v15;
	v15 =	vmul.f32 $8.000000000e+00, v16;
	v16 =	vld.idx.msk [tilespmem:v5+s25+$0x0], $0xffff  }
0x135: {  	[tilespmem:s12+$0xFFFFFE20] =	vst v18;
	v18 =	vmul.f32 $8.000000000e+00, v20;
	v20 =	vld.idx.msk [tilespmem:v4+s25+$0x0], $0xffff  }
0x136: {  	[tilespmem:s12+$0xFFFFFE30] =	vst v15;
	v15 =	vmul.f32 $8.000000000e+00, v21;
	v21 =	vld.idx.msk [tilespmem:v3+s25+$0x0], $0xffff  }
0x137: {  	[tilespmem:s12+$0xFFFFFE40] =	vst v18;
	v18 =	vmul.f32 $8.000000000e+00, v23;
	v22 =	vld.idx.msk [tilespmem:v2+s25+$0x0], $0xffff  }
0x138: {  	[tilespmem:s12+$0xFFFFFE50] =	vst v15;
	v15 =	vmul.f32 $8.000000000e+00, v17;
	v17 =	vld.idx.msk [tilespmem:v1+s25+$0x0], $0xffff  }
0x139: {  	[tilespmem:s12+$0xFFFFFE60] =	vst v18;
	v18 =	vmul.f32 $8.000000000e+00, v19;
	v19 =	vld.idx.msk [tilespmem:v0+s25+$0x0], $0xffff  }
0x13a: {  	v23 =	vld.idx.msk [tilespmem:v14+s26+$0x0], $0xffff;
	[tilespmem:s12+$0xFFFFFE70] =	vst v15;
	v15 =	vmul.f32 $8.000000000e+00, v16  }
0x13b: {  	v16 =	vld.idx.msk [tilespmem:v8+s26+$0x0], $0xffff;
	[tilespmem:s12+$0x200] =	vst v18;
	v18 =	vmul.f32 $8.000000000e+00, v20  }
0x13c: {  	v20 =	vld.idx.msk [tilespmem:v10+s26+$0x0], $0xffff;
	[tilespmem:s12+$0x210] =	vst v15;
	v15 =	vmul.f32 $8.000000000e+00, v21  }
0x13d: {  	v21 =	vld.idx.msk [tilespmem:v11+s26+$0x0], $0xffff;
	[tilespmem:s12+$0x220] =	vst v18;
	v18 =	vmul.f32 $8.000000000e+00, v22  }
0x13e: {  	v22 =	vld.idx.msk [tilespmem:v12+s26+$0x0], $0xffff;
	[tilespmem:s12+$0x230] =	vst v15;
	v15 =	vmul.f32 $8.000000000e+00, v17  }
0x13f: {  	v17 =	vld.idx.msk [tilespmem:v13+s26+$0x0], $0xffff;
	[tilespmem:s12+$0x240] =	vst v18;
	v18 =	vmul.f32 $8.000000000e+00, v19  }
0x140: {  	v19 =	vmul.f32 $8.000000000e+00, v23;
	v23 =	vld.idx.msk [tilespmem:v9+s26+$0x0], $0xffff;
	[tilespmem:s12+$0x250] =	vst v15  }
0x141: {  	v15 =	vmul.f32 $8.000000000e+00, v16;
	v16 =	vld.idx.msk [tilespmem:v6+s26+$0x0], $0xffff;
	[tilespmem:s12+$0x260] =	vst v18  }
0x142: {  	v18 =	vmul.f32 $8.000000000e+00, v20;
	[tilespmem:s12+$0xFFFFFE80] =	vst v19;
	v19 =	vld.idx.msk [tilespmem:v7+s26+$0x0], $0xffff  }
0x143: {  	[tilespmem:s12+$0xFFFFFE90] =	vst v15;
	v15 =	vmul.f32 $8.000000000e+00, v21;
	v20 =	vld.idx.msk [tilespmem:v5+s26+$0x0], $0xffff  }
0x144: {  	[tilespmem:s12+$0xFFFFFEA0] =	vst v18;
	v18 =	vmul.f32 $8.000000000e+00, v22;
	v21 =	vld.idx.msk [tilespmem:v4+s26+$0x0], $0xffff  }
0x145: {  	[tilespmem:s12+$0xFFFFFEB0] =	vst v15;
	v15 =	vmul.f32 $8.000000000e+00, v17;
	v17 =	vld.idx.msk [tilespmem:v3+s26+$0x0], $0xffff  }
0x146: {  	[tilespmem:s12+$0xFFFFFEC0] =	vst v18;
	v18 =	vmul.f32 $8.000000000e+00, v23;
	v22 =	vld.idx.msk [tilespmem:v2+s26+$0x0], $0xffff  }
0x147: {  	[tilespmem:s12+$0xFFFFFED0] =	vst v15;
	v15 =	vmul.f32 $8.000000000e+00, v16;
	v16 =	vld.idx.msk [tilespmem:v1+s26+$0x0], $0xffff  }
0x148: {  	[tilespmem:s12+$0xFFFFFEE0] =	vst v18;
	v18 =	vmul.f32 $8.000000000e+00, v19;
	v19 =	vld.idx.msk [tilespmem:v0+s26+$0x0], $0xffff  }
0x149: {  	v23 =	vld.idx.msk [tilespmem:v14+s28+$0x0], $0xffff;
	[tilespmem:s12+$0xFFFFFEF0] =	vst v15;
	v15 =	vmul.f32 $8.000000000e+00, v20  }
0x14a: {  	v20 =	vld.idx.msk [tilespmem:v8+s28+$0x0], $0xffff;
	[tilespmem:s12+$0x280] =	vst v18;
	v18 =	vmul.f32 $8.000000000e+00, v21  }
0x14b: {  	v21 =	vld.idx.msk [tilespmem:v10+s28+$0x0], $0xffff;
	[tilespmem:s12+$0x290] =	vst v15;
	v15 =	vmul.f32 $8.000000000e+00, v17  }
0x14c: {  	v17 =	vld.idx.msk [tilespmem:v11+s28+$0x0], $0xffff;
	[tilespmem:s12+$0x2A0] =	vst v18;
	v18 =	vmul.f32 $8.000000000e+00, v22  }
0x14d: {  	v22 =	vld.idx.msk [tilespmem:v12+s28+$0x0], $0xffff;
	[tilespmem:s12+$0x2B0] =	vst v15;
	v15 =	vmul.f32 $8.000000000e+00, v16  }
0x14e: {  	v16 =	vld.idx.msk [tilespmem:v13+s28+$0x0], $0xffff;
	[tilespmem:s12+$0x2C0] =	vst v18;
	v18 =	vmul.f32 $8.000000000e+00, v19  }
0x14f: {  	v19 =	vmul.f32 $8.000000000e+00, v23;
	v23 =	vld.idx.msk [tilespmem:v9+s28+$0x0], $0xffff;
	[tilespmem:s12+$0x2D0] =	vst v15  }
0x150: {  	v15 =	vmul.f32 $8.000000000e+00, v20;
	v20 =	vld.idx.msk [tilespmem:v6+s28+$0x0], $0xffff;
	[tilespmem:s12+$0x2E0] =	vst v18  }
0x151: {  	v18 =	vmul.f32 $8.000000000e+00, v21;
	[tilespmem:s12+$0xFFFFFF00] =	vst v19;
	v19 =	vld.idx.msk [tilespmem:v7+s28+$0x0], $0xffff  }
0x152: {  	[tilespmem:s12+$0xFFFFFF10] =	vst v15;
	v15 =	vmul.f32 $8.000000000e+00, v17;
	v17 =	vld.idx.msk [tilespmem:v5+s28+$0x0], $0xffff  }
0x153: {  	[tilespmem:s12+$0xFFFFFF20] =	vst v18;
	v18 =	vmul.f32 $8.000000000e+00, v22;
	v21 =	vld.idx.msk [tilespmem:v4+s28+$0x0], $0xffff  }
0x154: {  	[tilespmem:s12+$0xFFFFFF30] =	vst v15;
	v15 =	vmul.f32 $8.000000000e+00, v16;
	v16 =	vld.idx.msk [tilespmem:v3+s28+$0x0], $0xffff  }
0x155: {  	[tilespmem:s12+$0xFFFFFF40] =	vst v18;
	v18 =	vmul.f32 $8.000000000e+00, v23;
	v22 =	vld.idx.msk [tilespmem:v2+s28+$0x0], $0xffff  }
0x156: {  	[tilespmem:s12+$0xFFFFFF50] =	vst v15;
	v15 =	vmul.f32 $8.000000000e+00, v20;
	v20 =	vld.idx.msk [tilespmem:v1+s28+$0x0], $0xffff  }
0x157: {  	[tilespmem:s12+$0xFFFFFF60] =	vst v18;
	v18 =	vmul.f32 $8.000000000e+00, v19;
	v19 =	vld.idx.msk [tilespmem:v0+s28+$0x0], $0xffff  }
0x158: {  	v14 =	vld.idx.msk [tilespmem:v14+s29+$0x0], $0xffff;
	[tilespmem:s12+$0xFFFFFF70] =	vst v15;
	v15 =	vmul.f32 $8.000000000e+00, v17  }
0x159: {  	v17 =	vmul.f32 $8.000000000e+00, v21;
	v8 =	vld.idx.msk [tilespmem:v8+s29+$0x0], $0xffff;
	[tilespmem:s12+$0x300] =	vst v18  }
0x15a: {  	v10 =	vld.idx.msk [tilespmem:v10+s29+$0x0], $0xffff;
	[tilespmem:s12+$0x310] =	vst v15;
	v15 =	vmul.f32 $8.000000000e+00, v16  }
0x15b: {  	v16 =	vmul.f32 $8.000000000e+00, v22;
	v11 =	vld.idx.msk [tilespmem:v11+s29+$0x0], $0xffff;
	[tilespmem:s12+$0x320] =	vst v17  }
0x15c: {  	v12 =	vld.idx.msk [tilespmem:v12+s29+$0x0], $0xffff;
	[tilespmem:s12+$0x330] =	vst v15;
	v15 =	vmul.f32 $8.000000000e+00, v20  }
0x15d: {  	v13 =	vld.idx.msk [tilespmem:v13+s29+$0x0], $0xffff;
	[tilespmem:s12+$0x340] =	vst v16;
	v16 =	vmul.f32 $8.000000000e+00, v19  }
0x15e: {  	v14 =	vmul.f32 $8.000000000e+00, v14;
	v9 =	vld.idx.msk [tilespmem:v9+s29+$0x0], $0xffff;
	[tilespmem:s12+$0x350] =	vst v15  }
0x15f: {  	v8 =	vmul.f32 $8.000000000e+00, v8;
	v6 =	vld.idx.msk [tilespmem:v6+s29+$0x0], $0xffff;
	[tilespmem:s12+$0x360] =	vst v16  }
0x160: {  	v10 =	vmul.f32 $8.000000000e+00, v10;
	[tilespmem:s12+$0xFFFFFF80] =	vst v14;
	v14 =	vld.idx.msk [tilespmem:v7+s29+$0x0], $0xffff  }
0x161: {  	v7 =	vmul.f32 $8.000000000e+00, v11;
	[tilespmem:s12+$0xFFFFFF90] =	vst v8;
	v5 =	vld.idx.msk [tilespmem:v5+s29+$0x0], $0xffff  }
.Ltmp0:
0x162: {  	v8 =	vmul.f32 $8.000000000e+00, v12;
	[tilespmem:s12+$0xFFFFFFA0] =	vst v10;
	v4 =	vld.idx.msk [tilespmem:v4+s29+$0x0], $0xffff;
	(pc) =	sbr.rel @p1 .LBB2_3-.Ltmp0, $4  }
0x163: {  	[tilespmem:s12+$0xFFFFFFB0] =	vst v7;
	v7 =	vmul.f32 $8.000000000e+00, v13;
	v3 =	vld.idx.msk [tilespmem:v3+s29+$0x0], $0xffff  }
0x164: {  	[tilespmem:s12+$0xFFFFFFC0] =	vst v8;
	v8 =	vmul.f32 $8.000000000e+00, v9;
	v2 =	vld.idx.msk [tilespmem:v2+s29+$0x0], $0xffff  }
0x165: {  	[tilespmem:s12+$0xFFFFFFD0] =	vst v7;
	v7 =	vmul.f32 $8.000000000e+00, v6;
	v1 =	vld.idx.msk [tilespmem:v1+s29+$0x0], $0xffff  }
0x166: {  	s14 =	sadd.s32 $0x100, s14;
	v6 =	vmul.f32 $8.000000000e+00, v14;
	[tilespmem:s12+$0xFFFFFFE0] =	vst v8;
	v0 =	vld.idx.msk [tilespmem:v0+s29+$0x0], $0xffff  }
0x167: {  	[tilespmem:s12+$0xFFFFFFF0] =	vst v7;
	v5 =	vmul.f32 $8.000000000e+00, v5  }
0x168: {  	v4 =	vmul.f32 $8.000000000e+00, v4;
	[tilespmem:s12+$0x380] =	vst v6  }
0x169: {  	v3 =	vmul.f32 $8.000000000e+00, v3;
	[tilespmem:s12+$0x390] =	vst v5  }
0x16a: {  	[tilespmem:s12+$0x3A0] =	vst v4;
	v2 =	vmul.f32 $8.000000000e+00, v2  }
0x16b: {  	[tilespmem:s12+$0x3B0] =	vst v3;
	v1 =	vmul.f32 $8.000000000e+00, v1  }
0x16c: {  	p1 =	seq.s32 s10, $0x18;
	[tilespmem:s12+$0x3C0] =	vst v2;
	v0 =	vmul.f32 $8.000000000e+00, v0  }
0x16d: {  	s11 =	sshll.u32 @!p1 s13, $0x9;
	s14 =	simm.s32 @!p1 $0x0;
	[tilespmem:s12+$0x3D0] =	vst v1  }
0x16e: {  	s15 =	simm.s32 @!p1 $0x9400;
	s13 =	sshll.u32 s13, $0xF;
	[tilespmem:s12+$0x3E0] =	vst v0;
	s12 =	sadd.s32 @!p1 s11, s16  }
0x16f: {  	[tilespmem:s15], [sflag:$0x1] =	stream.linear.gather @!p1 [hbm4b:s12+s14], $0x1000, $0x38;
	[tilespmem:$0x1B400] =	vst v63  }
0x170: {  	s12 =	sor.u32 s4, s13  }
0x171: {  	s14 =	sadd.s32 s2, s12  }
0x172: {  	[hbm4b:s14+s3] =	stream.linear.scatter [tilespmem:s31], [sflag:$0x3], $0x8000, $0x38;
	[tilespmem:$0x1B400] =	vst v63  }
0x173: {  	_ =	swait.ge [sflag:s1], $0x1000  }
0x174: {  	[sflag:s1] =	ssyncset.done $0x0  }
0x175: {  	s13 =	simm.s32 @!p0 $0x4;
	[sflag:s1] =	ssyncadd.s32 $0xFFFFF000  }
0x176: {  	_ =	swait.ge @!p0 [sflag:s13], $0x8000  }
0x177: {  	[sflag:s13] =	ssyncset.done @!p0 $0x0  }
0x178: {  	s15 =	simm.s32 $0xA480;
	[sflag:s13] =	ssyncadd.s32 @!p0 $0xFFFF8000  }
0x179: {  	v15 =	vld [tilespmem:s15+$0x70]  }
0x17a: {  	v13 =	vld [tilespmem:s15+$0xFFFFFF90]  }
0x17b: {  	v12 =	vld [tilespmem:s15+$0xFFFFFFA0]  }
0x17c: {  	v11 =	vld [tilespmem:s15+$0xFFFFFFB0]  }
0x17d: {  	v10 =	vld [tilespmem:s15+$0xFFFFFFC0]  }
0x17e: {  	v9 =	vld [tilespmem:s15+$0xFFFFFFD0]  }
0x17f: {  	v8 =	vld [tilespmem:s15+$0xFFFFFFE0]  }
0x180: {  	v7 =	vld [tilespmem:s15+$0xFFFFFFF0]  }
0x181: {  	v6 =	vld [tilespmem:s15+$0x0]  }
0x182: {  	v5 =	vld [tilespmem:s15+$0x10]  }
0x183: {  	v4 =	vld [tilespmem:s15+$0x20]  }
0x184: {  	v3 =	vld [tilespmem:s15+$0x30]  }
0x185: {  	v2 =	vld [tilespmem:s15+$0x40]  }
0x186: {  	v1 =	vld [tilespmem:s15+$0x50]  }
0x187: {  	v14 =	vld [tilespmem:s15+$0xFFFFFF80]  }
0x188: {  	v0 =	vld.idx.msk [tilespmem:v15+s3+$0x0], $0xffff  }
0x189: {  	v17 =	vld.idx.msk [tilespmem:v13+s3+$0x0], $0xffff  }
0x18a: {  	v18 =	vld.idx.msk [tilespmem:v12+s3+$0x0], $0xffff  }
0x18b: {  	v19 =	vld.idx.msk [tilespmem:v11+s3+$0x0], $0xffff  }
0x18c: {  	v20 =	vld.idx.msk [tilespmem:v10+s3+$0x0], $0xffff  }
0x18d: {  	v21 =	vld.idx.msk [tilespmem:v9+s3+$0x0], $0xffff  }
0x18e: {  	v22 =	vld.idx.msk [tilespmem:v8+s3+$0x0], $0xffff  }
0x18f: {  	v23 =	vld.idx.msk [tilespmem:v14+s3+$0x0], $0xffff;
	v16 =	vmul.f32 $8.000000000e+00, v0  }
0x190: {  	s13 =	simm.s32 $0x13800;
	v24 =	vld.idx.msk [tilespmem:v7+s3+$0x0], $0xffff;
	v17 =	vmul.f32 $8.000000000e+00, v17  }
0x191: {  	v31 =	vld.idx.msk [tilespmem:v6+s3+$0x0], $0xffff;
	v18 =	vmul.f32 $8.000000000e+00, v18;
	[tilespmem:s13+$0x70] =	vst v16  }
0x192: {  	v33 =	vld.idx.msk [tilespmem:v5+s3+$0x0], $0xffff;
	v28 =	vmul.f32 $8.000000000e+00, v19;
	[tilespmem:s13+$0xFFFFFC10] =	vst v17  }
0x193: {  	v35 =	vld.idx.msk [tilespmem:v4+s3+$0x0], $0xffff;
	v30 =	vmul.f32 $8.000000000e+00, v20;
	[tilespmem:s13+$0xFFFFFC20] =	vst v18  }
0x194: {  	v37 =	vld.idx.msk [tilespmem:v3+s3+$0x0], $0xffff;
	v32 =	vmul.f32 $8.000000000e+00, v21;
	[tilespmem:s13+$0xFFFFFC30] =	vst v28  }
0x195: {  	v39 =	vld.idx.msk [tilespmem:v2+s3+$0x0], $0xffff;
	v34 =	vmul.f32 $8.000000000e+00, v22;
	[tilespmem:s13+$0xFFFFFC40] =	vst v30  }
0x196: {  	v40 =	vld.idx.msk [tilespmem:v1+s3+$0x0], $0xffff;
	v36 =	vmul.f32 $8.000000000e+00, v23;
	[tilespmem:s13+$0xFFFFFC50] =	vst v32  }
0x197: {  	v0 =	vld [tilespmem:s15+$0x60];
	v38 =	vmul.f32 $8.000000000e+00, v24;
	[tilespmem:s13+$0xFFFFFC60] =	vst v34  }
0x198: {  	v41 =	vmul.f32 $8.000000000e+00, v31;
	[tilespmem:s13+$0xFFFFFC00] =	vst v36;
	v16 =	vld.idx.msk [tilespmem:v15+s22+$0x0], $0xffff  }
0x199: {  	v20 =	vmul.f32 $8.000000000e+00, v33;
	[tilespmem:s13+$0xFFFFFC70] =	vst v38;
	v43 =	vld.idx.msk [tilespmem:v14+s22+$0x0], $0xffff  }
0x19a: {  	v44 =	vmul.f32 $8.000000000e+00, v35;
	[tilespmem:s13+$0x0] =	vst v41;
	v46 =	vld.idx.msk [tilespmem:v13+s22+$0x0], $0xffff  }
0x19b: {  	v48 =	vmul.f32 $8.000000000e+00, v39;
	[tilespmem:s13+$0x10] =	vst v20;
	v47 =	vld.idx.msk [tilespmem:v12+s22+$0x0], $0xffff  }
0x19c: {  	v50 =	vmul.f32 $8.000000000e+00, v40;
	[tilespmem:s13+$0x20] =	vst v44;
	v49 =	vld.idx.msk [tilespmem:v11+s22+$0x0], $0xffff  }
0x19d: {  	[tilespmem:s13+$0x40] =	vst v48;
	v51 =	vld.idx.msk [tilespmem:v10+s22+$0x0], $0xffff;
	v16 =	vmul.f32 $8.000000000e+00, v16  }
0x19e: {  	[tilespmem:s13+$0x50] =	vst v50;
	v54 =	vld.idx.msk [tilespmem:v9+s22+$0x0], $0xffff;
	v53 =	vmul.f32 $8.000000000e+00, v43  }
0x19f: {  	v58 =	vld.idx.msk [tilespmem:v7+s22+$0x0], $0xffff;
	v57 =	vmul.f32 $8.000000000e+00, v46;
	[tilespmem:s13+$0xF0] =	vst v16  }
0x1a0: {  	v59 =	vld.idx.msk [tilespmem:v6+s22+$0x0], $0xffff;
	v20 =	vmul.f32 $8.000000000e+00, v47;
	[tilespmem:s13+$0xFFFFFC80] =	vst v53  }
0x1a1: {  	v32 =	vld.idx.msk [tilespmem:v2+s22+$0x0], $0xffff;
	v60 =	vmul.f32 $8.000000000e+00, v49;
	[tilespmem:s13+$0xFFFFFC90] =	vst v57  }
0x1a2: {  	v55 =	vld.idx.msk [tilespmem:v8+s22+$0x0], $0xffff;
	v62 =	vmul.f32 $8.000000000e+00, v51;
	[tilespmem:s13+$0xFFFFFCA0] =	vst v20  }
0x1a3: {  	v63 =	vld.idx.msk [tilespmem:v5+s22+$0x0], $0xffff;
	v28 =	vmul.f32 $8.000000000e+00, v54;
	[tilespmem:s13+$0xFFFFFCB0] =	vst v60  }
0x1a4: {  	v34 =	vld.idx.msk [tilespmem:v1+s22+$0x0], $0xffff;
	v31 =	vmul.f32 $8.000000000e+00, v58;
	[tilespmem:s13+$0xFFFFFCC0] =	vst v62  }
0x1a5: {  	v42 =	vld.idx.msk [tilespmem:v0+s3+$0x0], $0xffff;
	v33 =	vmul.f32 $8.000000000e+00, v59;
	[tilespmem:s13+$0xFFFFFCD0] =	vst v28  }
0x1a6: {  	v19 =	vmul.f32 $8.000000000e+00, v32;
	[tilespmem:s13+$0xFFFFFCF0] =	vst v31;
	v29 =	vld.idx.msk [tilespmem:v15+s23+$0x0], $0xffff  }
0x1a7: {  	v16 =	vmul.f32 $8.000000000e+00, v37;
	[tilespmem:s13+$0x80] =	vst v33;
	v36 =	vld.idx.msk [tilespmem:v14+s23+$0x0], $0xffff  }
0x1a8: {  	v37 =	vmul.f32 $8.000000000e+00, v63;
	[tilespmem:s13+$0xC0] =	vst v19;
	v38 =	vld.idx.msk [tilespmem:v13+s23+$0x0], $0xffff  }
0x1a9: {  	v40 =	vld.idx.msk [tilespmem:v12+s23+$0x0], $0xffff;
	[tilespmem:s13+$0x30] =	vst v16;
	v16 =	vmul.f32 $8.000000000e+00, v55  }
0x1aa: {  	v41 =	vld.idx.msk [tilespmem:v11+s23+$0x0], $0xffff;
	[tilespmem:s13+$0x90] =	vst v37;
	v52 =	vmul.f32 $8.000000000e+00, v42  }
0x1ab: {  	v43 =	vld.idx.msk [tilespmem:v10+s23+$0x0], $0xffff;
	v42 =	vmul.f32 $8.000000000e+00, v34;
	[tilespmem:s13+$0xFFFFFCE0] =	vst v16  }
0x1ac: {  	v48 =	vld.idx.msk [tilespmem:v7+s23+$0x0], $0xffff;
	[tilespmem:s13+$0x60] =	vst v52;
	v17 =	vmul.f32 $8.000000000e+00, v29  }
0x1ad: {  	v50 =	vld.idx.msk [tilespmem:v6+s23+$0x0], $0xffff;
	[tilespmem:s13+$0xD0] =	vst v42;
	v44 =	vmul.f32 $8.000000000e+00, v36  }
0x1ae: {  	v30 =	vld.idx.msk [tilespmem:v3+s22+$0x0], $0xffff;
	v46 =	vmul.f32 $8.000000000e+00, v38;
	[tilespmem:s13+$0x170] =	vst v17  }
0x1af: {  	v29 =	vld.idx.msk [tilespmem:v4+s22+$0x0], $0xffff;
	v49 =	vmul.f32 $8.000000000e+00, v40;
	[tilespmem:s13+$0xFFFFFD00] =	vst v44  }
0x1b0: {  	v35 =	vld.idx.msk [tilespmem:v0+s22+$0x0], $0xffff;
	v51 =	vmul.f32 $8.000000000e+00, v41;
	[tilespmem:s13+$0xFFFFFD10] =	vst v46  }
0x1b1: {  	v58 =	vld.idx.msk [tilespmem:v2+s23+$0x0], $0xffff;
	v53 =	vmul.f32 $8.000000000e+00, v43;
	[tilespmem:s13+$0xFFFFFD20] =	vst v49  }
0x1b2: {  	v59 =	vmul.f32 $8.000000000e+00, v50;
	v60 =	vld.idx.msk [tilespmem:v1+s23+$0x0], $0xffff;
	[tilespmem:s13+$0xFFFFFD30] =	vst v51  }
0x1b3: {  	v47 =	vld.idx.msk [tilespmem:v8+s23+$0x0], $0xffff;
	v39 =	vmul.f32 $8.000000000e+00, v30;
	[tilespmem:s13+$0xFFFFFD40] =	vst v53  }
0x1b4: {  	[tilespmem:s13+$0x100] =	vst v59;
	v45 =	vld.idx.msk [tilespmem:v15+s24+$0x0], $0xffff;
	v23 =	vmul.f32 $8.000000000e+00, v29  }
0x1b5: {  	v63 =	vld.idx.msk [tilespmem:v14+s24+$0x0], $0xffff;
	[tilespmem:s13+$0xB0] =	vst v39;
	v17 =	vmul.f32 $8.000000000e+00, v35  }
0x1b6: {  	v28 =	vld.idx.msk [tilespmem:v12+s24+$0x0], $0xffff;
	v29 =	vmul.f32 $8.000000000e+00, v58;
	[tilespmem:s13+$0xA0] =	vst v23  }
0x1b7: {  	v30 =	vld.idx.msk [tilespmem:v11+s24+$0x0], $0xffff;
	v19 =	vmul.f32 $8.000000000e+00, v60;
	[tilespmem:s13+$0xE0] =	vst v17  }
0x1b8: {  	v31 =	vld.idx.msk [tilespmem:v10+s24+$0x0], $0xffff;
	v17 =	vmul.f32 $8.000000000e+00, v48;
	[tilespmem:s13+$0x140] =	vst v29  }
0x1b9: {  	v52 =	vld.idx.msk [tilespmem:v5+s23+$0x0], $0xffff;
	[tilespmem:s13+$0x150] =	vst v19;
	v56 =	vmul.f32 $8.000000000e+00, v45  }
0x1ba: {  	v57 =	vld.idx.msk [tilespmem:v3+s23+$0x0], $0xffff;
	v33 =	vmul.f32 $8.000000000e+00, v63;
	[tilespmem:s13+$0xFFFFFD70] =	vst v17  }
0x1bb: {  	v45 =	vld.idx.msk [tilespmem:v9+s23+$0x0], $0xffff;
	v36 =	vmul.f32 $8.000000000e+00, v28;
	[tilespmem:s13+$0x1F0] =	vst v56  }
0x1bc: {  	v55 =	vld.idx.msk [tilespmem:v4+s23+$0x0], $0xffff;
	v39 =	vmul.f32 $8.000000000e+00, v30;
	[tilespmem:s13+$0xFFFFFD80] =	vst v33  }
0x1bd: {  	v62 =	vld.idx.msk [tilespmem:v0+s23+$0x0], $0xffff;
	v20 =	vmul.f32 $8.000000000e+00, v31;
	[tilespmem:s13+$0xFFFFFDA0] =	vst v36  }
0x1be: {  	v44 =	vld.idx.msk [tilespmem:v2+s24+$0x0], $0xffff;
	v56 =	vmul.f32 $8.000000000e+00, v47;
	[tilespmem:s13+$0xFFFFFDB0] =	vst v39  }
0x1bf: {  	v46 =	vld.idx.msk [tilespmem:v1+s24+$0x0], $0xffff;
	v22 =	vmul.f32 $8.000000000e+00, v57;
	[tilespmem:s13+$0xFFFFFDC0] =	vst v20  }
0x1c0: {  	v37 =	vld.idx.msk [tilespmem:v7+s24+$0x0], $0xffff;
	[tilespmem:s13+$0xFFFFFD60] =	vst v56;
	v54 =	vmul.f32 $8.000000000e+00, v45  }
0x1c1: {  	v61 =	vld.idx.msk [tilespmem:v15+s25+$0x0], $0xffff;
	[tilespmem:s13+$0x130] =	vst v22;
	v27 =	vmul.f32 $8.000000000e+00, v55  }
0x1c2: {  	v26 =	vld.idx.msk [tilespmem:v13+s24+$0x0], $0xffff;
	v32 =	vmul.f32 $8.000000000e+00, v62;
	[tilespmem:s13+$0xFFFFFD50] =	vst v54  }
0x1c3: {  	v48 =	vld.idx.msk [tilespmem:v14+s25+$0x0], $0xffff;
	v55 =	vmul.f32 $8.000000000e+00, v44;
	[tilespmem:s13+$0x120] =	vst v27  }
0x1c4: {  	v56 =	vld.idx.msk [tilespmem:v10+s25+$0x0], $0xffff;
	v57 =	vmul.f32 $8.000000000e+00, v46;
	[tilespmem:s13+$0x160] =	vst v32  }
0x1c5: {  	v35 =	vld.idx.msk [tilespmem:v8+s24+$0x0], $0xffff;
	v45 =	vmul.f32 $8.000000000e+00, v37;
	[tilespmem:s13+$0x1C0] =	vst v55  }
0x1c6: {  	v43 =	vld.idx.msk [tilespmem:v3+s24+$0x0], $0xffff;
	[tilespmem:s13+$0x1D0] =	vst v57;
	v18 =	vmul.f32 $8.000000000e+00, v61  }
0x1c7: {  	v61 =	vmul.f32 $8.000000000e+00, v52;
	v34 =	vld.idx.msk [tilespmem:v9+s24+$0x0], $0xffff;
	[tilespmem:s13+$0xFFFFFDF0] =	vst v45  }
0x1c8: {  	v41 =	vld.idx.msk [tilespmem:v4+s24+$0x0], $0xffff;
	v60 =	vmul.f32 $8.000000000e+00, v48;
	[tilespmem:s13+$0x270] =	vst v18  }
0x1c9: {  	v47 =	vld.idx.msk [tilespmem:v0+s24+$0x0], $0xffff;
	v28 =	vmul.f32 $8.000000000e+00, v56;
	[tilespmem:s13+$0x110] =	vst v61  }
0x1ca: {  	v52 =	vld.idx.msk [tilespmem:v12+s25+$0x0], $0xffff;
	v19 =	vmul.f32 $8.000000000e+00, v35;
	[tilespmem:s13+$0xFFFFFE00] =	vst v60  }
0x1cb: {  	v33 =	vld.idx.msk [tilespmem:v2+s25+$0x0], $0xffff;
	v53 =	vmul.f32 $8.000000000e+00, v43;
	[tilespmem:s13+$0xFFFFFE40] =	vst v28  }
0x1cc: {  	v63 =	vld.idx.msk [tilespmem:v7+s25+$0x0], $0xffff;
	[tilespmem:s13+$0xFFFFFDE0] =	vst v19;
	v42 =	vmul.f32 $8.000000000e+00, v34  }
0x1cd: {  	v35 =	vld.idx.msk [tilespmem:v1+s25+$0x0], $0xffff;
	[tilespmem:s13+$0x1B0] =	vst v53;
	v51 =	vmul.f32 $8.000000000e+00, v41  }
0x1ce: {  	v18 =	vld.idx.msk [tilespmem:v15+s26+$0x0], $0xffff;
	v59 =	vmul.f32 $8.000000000e+00, v47;
	[tilespmem:s13+$0xFFFFFDD0] =	vst v42  }
0x1cf: {  	v40 =	vld.idx.msk [tilespmem:v5+s24+$0x0], $0xffff;
	v24 =	vmul.f32 $8.000000000e+00, v52;
	[tilespmem:s13+$0x1A0] =	vst v51  }
0x1d0: {  	v61 =	vld.idx.msk [tilespmem:v8+s25+$0x0], $0xffff;
	v45 =	vmul.f32 $8.000000000e+00, v33;
	[tilespmem:s13+$0x1E0] =	vst v59  }
0x1d1: {  	v31 =	vld.idx.msk [tilespmem:v3+s25+$0x0], $0xffff;
	[tilespmem:s13+$0xFFFFFE20] =	vst v24;
	v34 =	vmul.f32 $8.000000000e+00, v63  }
0x1d2: {  	v47 =	vmul.f32 $8.000000000e+00, v35;
	[tilespmem:s13+$0x240] =	vst v45;
	v58 =	vld.idx.msk [tilespmem:v9+s25+$0x0], $0xffff  }
0x1d3: {  	v18 =	vmul.f32 $8.000000000e+00, v18;
	v29 =	vld.idx.msk [tilespmem:v4+s25+$0x0], $0xffff;
	[tilespmem:s13+$0xFFFFFE70] =	vst v34  }
0x1d4: {  	v49 =	vmul.f32 $8.000000000e+00, v40;
	v37 =	vld.idx.msk [tilespmem:v0+s25+$0x0], $0xffff;
	[tilespmem:s13+$0x250] =	vst v47  }
0x1d5: {  	v46 =	vld.idx.msk [tilespmem:v10+s26+$0x0], $0xffff;
	[tilespmem:s13+$0x2F0] =	vst v18;
	v32 =	vmul.f32 $8.000000000e+00, v61  }
0x1d6: {  	v63 =	vld.idx.msk [tilespmem:v2+s26+$0x0], $0xffff;
	[tilespmem:s13+$0x190] =	vst v49;
	v43 =	vmul.f32 $8.000000000e+00, v31  }
0x1d7: {  	v53 =	vld.idx.msk [tilespmem:v7+s26+$0x0], $0xffff;
	[tilespmem:s13+$0xFFFFFE60] =	vst v32;
	v30 =	vmul.f32 $8.000000000e+00, v58  }
0x1d8: {  	v18 =	vld.idx.msk [tilespmem:v15+s28+$0x0], $0xffff;
	[tilespmem:s13+$0x230] =	vst v43;
	v41 =	vmul.f32 $8.000000000e+00, v29  }
0x1d9: {  	v38 =	vld.idx.msk [tilespmem:v6+s24+$0x0], $0xffff;
	v49 =	vmul.f32 $8.000000000e+00, v37;
	[tilespmem:s13+$0xFFFFFE50] =	vst v30  }
0x1da: {  	v54 =	vld.idx.msk [tilespmem:v11+s25+$0x0], $0xffff;
	v58 =	vmul.f32 $8.000000000e+00, v46;
	[tilespmem:s13+$0x220] =	vst v41  }
0x1db: {  	v27 =	vld.idx.msk [tilespmem:v5+s25+$0x0], $0xffff;
	v35 =	vmul.f32 $8.000000000e+00, v63;
	[tilespmem:s13+$0x260] =	vst v49  }
0x1dc: {  	v42 =	vld.idx.msk [tilespmem:v12+s26+$0x0], $0xffff;
	[tilespmem:s13+$0xFFFFFEC0] =	vst v58;
	v24 =	vmul.f32 $8.000000000e+00, v53  }
0x1dd: {  	v51 =	vld.idx.msk [tilespmem:v8+s26+$0x0], $0xffff;
	[tilespmem:s13+$0x2C0] =	vst v35;
	v25 =	vmul.f32 $8.000000000e+00, v18  }
0x1de: {  	v61 =	vld.idx.msk [tilespmem:v3+s26+$0x0], $0xffff;
	v18 =	vmul.f32 $8.000000000e+00, v26;
	[tilespmem:s13+$0xFFFFFEF0] =	vst v24  }
0x1df: {  	v26 =	vmul.f32 $8.000000000e+00, v54;
	v48 =	vld.idx.msk [tilespmem:v9+s26+$0x0], $0xffff;
	[tilespmem:s13+$0x370] =	vst v25  }
0x1e0: {  	v39 =	vmul.f32 $8.000000000e+00, v27;
	v59 =	vld.idx.msk [tilespmem:v4+s26+$0x0], $0xffff;
	[tilespmem:s13+$0xFFFFFD90] =	vst v18  }
0x1e1: {  	v54 =	vmul.f32 $8.000000000e+00, v42;
	v27 =	vld.idx.msk [tilespmem:v0+s26+$0x0], $0xffff;
	[tilespmem:s13+$0xFFFFFE30] =	vst v26  }
0x1e2: {  	v53 =	vld.idx.msk [tilespmem:v2+s28+$0x0], $0xffff;
	v18 =	vmul.f32 $8.000000000e+00, v38;
	[tilespmem:s13+$0x210] =	vst v39  }
0x1e3: {  	[tilespmem:s13+$0xFFFFFEA0] =	vst v54;
	v33 =	vmul.f32 $8.000000000e+00, v61;
	v43 =	vld.idx.msk [tilespmem:v7+s28+$0x0], $0xffff  }
0x1e4: {  	v15 =	vld.idx.msk [tilespmem:v15+s29+$0x0], $0xffff;
	[tilespmem:s13+$0x180] =	vst v18;
	v60 =	vmul.f32 $8.000000000e+00, v48  }
0x1e5: {  	v50 =	vld.idx.msk [tilespmem:v13+s25+$0x0], $0xffff;
	[tilespmem:s13+$0x2B0] =	vst v33;
	v31 =	vmul.f32 $8.000000000e+00, v59  }
0x1e6: {  	v38 =	vld.idx.msk [tilespmem:v14+s26+$0x0], $0xffff;
	v39 =	vmul.f32 $8.000000000e+00, v27;
	[tilespmem:s13+$0xFFFFFED0] =	vst v60  }
0x1e7: {  	v44 =	vld.idx.msk [tilespmem:v11+s26+$0x0], $0xffff;
	v61 =	vmul.f32 $8.000000000e+00, v53;
	[tilespmem:s13+$0x2A0] =	vst v31  }
0x1e8: {  	v57 =	vld.idx.msk [tilespmem:v5+s26+$0x0], $0xffff;
	[tilespmem:s13+$0x2E0] =	vst v39;
	v54 =	vmul.f32 $8.000000000e+00, v43  }
0x1e9: {  	v32 =	vld.idx.msk [tilespmem:v12+s28+$0x0], $0xffff;
	[tilespmem:s13+$0x340] =	vst v61;
	v15 =	vmul.f32 $8.000000000e+00, v15  }
0x1ea: {  	v25 =	vld.idx.msk [tilespmem:v6+s25+$0x0], $0xffff;
	v62 =	vmul.f32 $8.000000000e+00, v50;
	[tilespmem:s13+$0xFFFFFF70] =	vst v54  }
0x1eb: {  	v50 =	vmul.f32 $8.000000000e+00, v38;
	v38 =	vld.idx.msk [tilespmem:v9+s28+$0x0], $0xffff;
	[tilespmem:s13+$0x3F0] =	vst v15  }
0x1ec: {  	v56 =	vmul.f32 $8.000000000e+00, v44;
	v49 =	vld.idx.msk [tilespmem:v4+s28+$0x0], $0xffff;
	[tilespmem:s13+$0xFFFFFE10] =	vst v62  }
0x1ed: {  	v29 =	vmul.f32 $8.000000000e+00, v57;
	v57 =	vld.idx.msk [tilespmem:v0+s28+$0x0], $0xffff;
	[tilespmem:s13+$0xFFFFFE80] =	vst v50  }
0x1ee: {  	v44 =	vmul.f32 $8.000000000e+00, v32;
	v2 =	vld.idx.msk [tilespmem:v2+s29+$0x0], $0xffff;
	[tilespmem:s13+$0xFFFFFEB0] =	vst v56  }
0x1ef: {  	v36 =	vmul.f32 $8.000000000e+00, v25;
	v25 =	vld.idx.msk [tilespmem:v1+s26+$0x0], $0xffff;
	[tilespmem:s13+$0x290] =	vst v29  }
0x1f0: {  	v62 =	vmul.f32 $8.000000000e+00, v51;
	[tilespmem:s13+$0xFFFFFF20] =	vst v44;
	v51 =	vld.idx.msk [tilespmem:v3+s28+$0x0], $0xffff  }
0x1f1: {  	v40 =	vld.idx.msk [tilespmem:v13+s26+$0x0], $0xffff;
	[tilespmem:s13+$0x200] =	vst v36;
	v50 =	vmul.f32 $8.000000000e+00, v38  }
0x1f2: {  	v28 =	vld.idx.msk [tilespmem:v14+s28+$0x0], $0xffff;
	[tilespmem:s13+$0xFFFFFEE0] =	vst v62;
	v59 =	vmul.f32 $8.000000000e+00, v49  }
0x1f3: {  	v55 =	vld.idx.msk [tilespmem:v6+s26+$0x0], $0xffff;
	v63 =	vmul.f32 $8.000000000e+00, v57;
	[tilespmem:s13+$0xFFFFFF50] =	vst v50  }
0x1f4: {  	v34 =	vld.idx.msk [tilespmem:v11+s28+$0x0], $0xffff;
	v37 =	vmul.f32 $8.000000000e+00, v25;
	[tilespmem:s13+$0x320] =	vst v59  }
0x1f5: {  	v47 =	vld.idx.msk [tilespmem:v5+s28+$0x0], $0xffff;
	v60 =	vmul.f32 $8.000000000e+00, v51;
	[tilespmem:s13+$0x360] =	vst v63  }
0x1f6: {  	v12 =	vld.idx.msk [tilespmem:v12+s29+$0x0], $0xffff;
	v52 =	vmul.f32 $8.000000000e+00, v40;
	[tilespmem:s13+$0x2D0] =	vst v37  }
0x1f7: {  	v36 =	vld.idx.msk [tilespmem:v10+s28+$0x0], $0xffff;
	v40 =	vmul.f32 $8.000000000e+00, v28;
	[tilespmem:s13+$0x330] =	vst v60  }
0x1f8: {  	v41 =	vld.idx.msk [tilespmem:v8+s28+$0x0], $0xffff;
	[tilespmem:s13+$0xFFFFFE90] =	vst v52;
	v26 =	vmul.f32 $8.000000000e+00, v55  }
0x1f9: {  	v46 =	vmul.f32 $8.000000000e+00, v34;
	[tilespmem:s13+$0xFFFFFF00] =	vst v40;
	v30 =	vld.idx.msk [tilespmem:v13+s28+$0x0], $0xffff  }
0x1fa: {  	v58 =	vmul.f32 $8.000000000e+00, v47;
	v9 =	vld.idx.msk [tilespmem:v9+s29+$0x0], $0xffff;
	[tilespmem:s13+$0x280] =	vst v26  }
0x1fb: {  	v12 =	vmul.f32 $8.000000000e+00, v12;
	[tilespmem:s13+$0xFFFFFF30] =	vst v46;
	v45 =	vld.idx.msk [tilespmem:v6+s28+$0x0], $0xffff  }
0x1fc: {  	v48 =	vmul.f32 $8.000000000e+00, v36;
	v55 =	vld.idx.msk [tilespmem:v1+s28+$0x0], $0xffff;
	[tilespmem:s13+$0x310] =	vst v58  }
0x1fd: {  	v52 =	vmul.f32 $8.000000000e+00, v41;
	[tilespmem:s13+$0xFFFFFFA0] =	vst v12;
	v14 =	vld.idx.msk [tilespmem:v14+s29+$0x0], $0xffff  }
0x1fe: {  	[tilespmem:s13+$0xFFFFFF40] =	vst v48;
	v11 =	vld.idx.msk [tilespmem:v11+s29+$0x0], $0xffff;
	v42 =	vmul.f32 $8.000000000e+00, v30  }
0x1ff: {  	[tilespmem:s13+$0xFFFFFF60] =	vst v52;
	v10 =	vld.idx.msk [tilespmem:v10+s29+$0x0], $0xffff;
	v9 =	vmul.f32 $8.000000000e+00, v9  }
0x200: {  	v8 =	vld.idx.msk [tilespmem:v8+s29+$0x0], $0xffff;
	[tilespmem:s13+$0xFFFFFF10] =	vst v42;
	v56 =	vmul.f32 $8.000000000e+00, v45  }
0x201: {  	v62 =	vmul.f32 $8.000000000e+00, v55;
	[tilespmem:s13+$0xFFFFFFD0] =	vst v9;
	v13 =	vld.idx.msk [tilespmem:v13+s29+$0x0], $0xffff  }
0x202: {  	v7 =	vld.idx.msk [tilespmem:v7+s29+$0x0], $0xffff;
	v14 =	vmul.f32 $8.000000000e+00, v14;
	[tilespmem:s13+$0x300] =	vst v56  }
0x203: {  	v11 =	vmul.f32 $8.000000000e+00, v11;
	[tilespmem:s13+$0x350] =	vst v62;
	v6 =	vld.idx.msk [tilespmem:v6+s29+$0x0], $0xffff  }
0x204: {  	v5 =	vld.idx.msk [tilespmem:v5+s29+$0x0], $0xffff;
	v10 =	vmul.f32 $8.000000000e+00, v10;
	[tilespmem:s13+$0xFFFFFF80] =	vst v14  }
0x205: {  	v4 =	vld.idx.msk [tilespmem:v4+s29+$0x0], $0xffff;
	[tilespmem:s13+$0xFFFFFFB0] =	vst v11;
	v8 =	vmul.f32 $8.000000000e+00, v8  }
0x206: {  	v3 =	vld.idx.msk [tilespmem:v3+s29+$0x0], $0xffff;
	[tilespmem:s13+$0xFFFFFFC0] =	vst v10;
	v13 =	vmul.f32 $8.000000000e+00, v13  }
0x207: {  	v7 =	vmul.f32 $8.000000000e+00, v7;
	v0 =	vld.idx.msk [tilespmem:v0+s29+$0x0], $0xffff;
	[tilespmem:s13+$0xFFFFFFE0] =	vst v8  }
0x208: {  	s14 =	simm.s32 $0x0;
	s15 =	simm.s32 $0xA580;
	v1 =	vld.idx.msk [tilespmem:v1+s29+$0x0], $0xffff;
	[tilespmem:s13+$0xFFFFFF90] =	vst v13;
	v6 =	vmul.f32 $8.000000000e+00, v6  }
.LBB2_5:
0x209: {  	v15 =	vld [tilespmem:s15+$0x70];
	s14 =	sadd.s32 $0x10, s14;
	[tilespmem:s13+$0xFFFFFFF0] =	vst v7;
	v5 =	vmul.f32 $8.000000000e+00, v5  }
0x20a: {  	v4 =	vmul.f32 $8.000000000e+00, v4;
	v8 =	vld [tilespmem:s15+$0xFFFFFF90];
	p0 =	slt.u32 s14, $0xF0;
	[tilespmem:s13+$0x380] =	vst v6  }
0x20b: {  	v3 =	vmul.f32 $8.000000000e+00, v3;
	v10 =	vld [tilespmem:s15+$0xFFFFFFA0];
	[tilespmem:s13+$0x390] =	vst v5  }
0x20c: {  	v2 =	vmul.f32 $8.000000000e+00, v2;
	v11 =	vld [tilespmem:s15+$0xFFFFFFB0];
	[tilespmem:s13+$0x3A0] =	vst v4  }
0x20d: {  	v1 =	vmul.f32 $8.000000000e+00, v1;
	v12 =	vld [tilespmem:s15+$0xFFFFFFC0];
	[tilespmem:s13+$0x3B0] =	vst v3  }
0x20e: {  	v0 =	vmul.f32 $8.000000000e+00, v0;
	v13 =	vld [tilespmem:s15+$0xFFFFFFD0];
	[tilespmem:s13+$0x3C0] =	vst v2  }
0x20f: {  	v9 =	vld [tilespmem:s15+$0xFFFFFFE0];
	[tilespmem:s13+$0x3D0] =	vst v1  }
0x210: {  	v6 =	vld [tilespmem:s15+$0xFFFFFFF0];
	[tilespmem:s13+$0x3E0] =	vst v0  }
0x211: {  	v0 =	vld.idx.msk [tilespmem:v15+s3+$0x0], $0xffff  }
0x212: {  	v7 =	vld [tilespmem:s15+$0x0]  }
0x213: {  	v5 =	vld [tilespmem:s15+$0x10]  }
0x214: {  	v4 =	vld [tilespmem:s15+$0x20]  }
0x215: {  	v3 =	vld [tilespmem:s15+$0x30]  }
0x216: {  	v2 =	vld [tilespmem:s15+$0x40]  }
0x217: {  	v16 =	vmul.f32 $8.000000000e+00, v0;
	v1 =	vld [tilespmem:s15+$0x50]  }
0x218: {  	s13 =	sadd.s32 $0x800, s13;
	v0 =	vld [tilespmem:s15+$0x60]  }
0x219: {  	v14 =	vld [tilespmem:s15+$0xFFFFFF80];
	[tilespmem:s13+$0x70] =	vst v16  }
0x21a: {  	v16 =	vld.idx.msk [tilespmem:v15+s22+$0x0], $0xffff  }
0x21b: {  	v17 =	vld.idx.msk [tilespmem:v8+s3+$0x0], $0xffff  }
0x21c: {  	v18 =	vld.idx.msk [tilespmem:v10+s3+$0x0], $0xffff  }
0x21d: {  	v19 =	vld.idx.msk [tilespmem:v11+s3+$0x0], $0xffff  }
0x21e: {  	v20 =	vld.idx.msk [tilespmem:v12+s3+$0x0], $0xffff  }
0x21f: {  	v21 =	vld.idx.msk [tilespmem:v13+s3+$0x0], $0xffff  }
0x220: {  	v16 =	vmul.f32 $8.000000000e+00, v16;
	v22 =	vld.idx.msk [tilespmem:v9+s3+$0x0], $0xffff  }
0x221: {  	v17 =	vmul.f32 $8.000000000e+00, v17;
	v23 =	vld.idx.msk [tilespmem:v14+s3+$0x0], $0xffff  }
0x222: {  	v18 =	vmul.f32 $8.000000000e+00, v18;
	v24 =	vld.idx.msk [tilespmem:v6+s3+$0x0], $0xffff;
	[tilespmem:s13+$0xF0] =	vst v16  }
0x223: {  	v16 =	vmul.f32 $8.000000000e+00, v19;
	[tilespmem:s13+$0xFFFFFC10] =	vst v17;
	v17 =	vld.idx.msk [tilespmem:v15+s23+$0x0], $0xffff  }
0x224: {  	[tilespmem:s13+$0xFFFFFC20] =	vst v18;
	v18 =	vmul.f32 $8.000000000e+00, v20;
	v19 =	vld.idx.msk [tilespmem:v7+s3+$0x0], $0xffff  }
0x225: {  	[tilespmem:s13+$0xFFFFFC30] =	vst v16;
	v16 =	vmul.f32 $8.000000000e+00, v21;
	v20 =	vld.idx.msk [tilespmem:v5+s3+$0x0], $0xffff  }
0x226: {  	[tilespmem:s13+$0xFFFFFC40] =	vst v18;
	v18 =	vmul.f32 $8.000000000e+00, v22;
	v21 =	vld.idx.msk [tilespmem:v4+s3+$0x0], $0xffff  }
0x227: {  	v22 =	vmul.f32 $8.000000000e+00, v23;
	[tilespmem:s13+$0xFFFFFC50] =	vst v16;
	v16 =	vld.idx.msk [tilespmem:v3+s3+$0x0], $0xffff  }
0x228: {  	[tilespmem:s13+$0xFFFFFC60] =	vst v18;
	v18 =	vmul.f32 $8.000000000e+00, v24;
	v23 =	vld.idx.msk [tilespmem:v2+s3+$0x0], $0xffff  }
0x229: {  	v17 =	vmul.f32 $8.000000000e+00, v17;
	[tilespmem:s13+$0xFFFFFC00] =	vst v22;
	v22 =	vld.idx.msk [tilespmem:v1+s3+$0x0], $0xffff  }
0x22a: {  	[tilespmem:s13+$0xFFFFFC70] =	vst v18;
	v18 =	vmul.f32 $8.000000000e+00, v19;
	v19 =	vld.idx.msk [tilespmem:v0+s3+$0x0], $0xffff  }
0x22b: {  	v20 =	vmul.f32 $8.000000000e+00, v20;
	v24 =	vld.idx.msk [tilespmem:v14+s22+$0x0], $0xffff;
	[tilespmem:s13+$0x170] =	vst v17  }
0x22c: {  	v17 =	vmul.f32 $8.000000000e+00, v21;
	[tilespmem:s13+$0x0] =	vst v18;
	v18 =	vld.idx.msk [tilespmem:v15+s24+$0x0], $0xffff  }
0x22d: {  	v16 =	vmul.f32 $8.000000000e+00, v16;
	v21 =	vld.idx.msk [tilespmem:v8+s22+$0x0], $0xffff;
	[tilespmem:s13+$0x10] =	vst v20  }
0x22e: {  	v20 =	vld.idx.msk [tilespmem:v10+s22+$0x0], $0xffff;
	[tilespmem:s13+$0x20] =	vst v17;
	v17 =	vmul.f32 $8.000000000e+00, v23  }
0x22f: {  	v23 =	vld.idx.msk [tilespmem:v11+s22+$0x0], $0xffff;
	[tilespmem:s13+$0x30] =	vst v16;
	v16 =	vmul.f32 $8.000000000e+00, v22  }
0x230: {  	v22 =	vld.idx.msk [tilespmem:v12+s22+$0x0], $0xffff;
	[tilespmem:s13+$0x40] =	vst v17;
	v17 =	vmul.f32 $8.000000000e+00, v19  }
0x231: {  	v19 =	vmul.f32 $8.000000000e+00, v24;
	v24 =	vld.idx.msk [tilespmem:v13+s22+$0x0], $0xffff;
	[tilespmem:s13+$0x50] =	vst v16  }
0x232: {  	v16 =	vld.idx.msk [tilespmem:v9+s22+$0x0], $0xffff;
	[tilespmem:s13+$0x60] =	vst v17;
	v17 =	vmul.f32 $8.000000000e+00, v18  }
0x233: {  	v18 =	vmul.f32 $8.000000000e+00, v21;
	[tilespmem:s13+$0xFFFFFC80] =	vst v19;
	v19 =	vld.idx.msk [tilespmem:v6+s22+$0x0], $0xffff  }
0x234: {  	v20 =	vmul.f32 $8.000000000e+00, v20;
	v21 =	vld.idx.msk [tilespmem:v7+s22+$0x0], $0xffff;
	[tilespmem:s13+$0x1F0] =	vst v17  }
0x235: {  	v17 =	vmul.f32 $8.000000000e+00, v23;
	[tilespmem:s13+$0xFFFFFC90] =	vst v18;
	v18 =	vld.idx.msk [tilespmem:v15+s25+$0x0], $0xffff  }
0x236: {  	[tilespmem:s13+$0xFFFFFCA0] =	vst v20;
	v20 =	vmul.f32 $8.000000000e+00, v22;
	v22 =	vld.idx.msk [tilespmem:v5+s22+$0x0], $0xffff  }
0x237: {  	[tilespmem:s13+$0xFFFFFCB0] =	vst v17;
	v17 =	vmul.f32 $8.000000000e+00, v24;
	v23 =	vld.idx.msk [tilespmem:v4+s22+$0x0], $0xffff  }
0x238: {  	v16 =	vmul.f32 $8.000000000e+00, v16;
	[tilespmem:s13+$0xFFFFFCC0] =	vst v20;
	v20 =	vld.idx.msk [tilespmem:v3+s22+$0x0], $0xffff  }
0x239: {  	[tilespmem:s13+$0xFFFFFCD0] =	vst v17;
	v17 =	vmul.f32 $8.000000000e+00, v19;
	v19 =	vld.idx.msk [tilespmem:v2+s22+$0x0], $0xffff  }
0x23a: {  	[tilespmem:s13+$0xFFFFFCE0] =	vst v16;
	v16 =	vmul.f32 $8.000000000e+00, v21;
	v21 =	vld.idx.msk [tilespmem:v1+s22+$0x0], $0xffff  }
0x23b: {  	v18 =	vmul.f32 $8.000000000e+00, v18;
	[tilespmem:s13+$0xFFFFFCF0] =	vst v17;
	v17 =	vld.idx.msk [tilespmem:v0+s22+$0x0], $0xffff  }
0x23c: {  	v24 =	vld.idx.msk [tilespmem:v14+s23+$0x0], $0xffff;
	[tilespmem:s13+$0x80] =	vst v16;
	v16 =	vmul.f32 $8.000000000e+00, v22  }
0x23d: {  	v23 =	vmul.f32 $8.000000000e+00, v23;
	v22 =	vld.idx.msk [tilespmem:v8+s23+$0x0], $0xffff;
	[tilespmem:s13+$0x270] =	vst v18  }
0x23e: {  	[tilespmem:s13+$0x90] =	vst v16;
	v16 =	vmul.f32 $8.000000000e+00, v20;
	v18 =	vld.idx.msk [tilespmem:v15+s26+$0x0], $0xffff  }
0x23f: {  	v19 =	vmul.f32 $8.000000000e+00, v19;
	v20 =	vld.idx.msk [tilespmem:v10+s23+$0x0], $0xffff;
	[tilespmem:s13+$0xA0] =	vst v23  }
0x240: {  	v23 =	vld.idx.msk [tilespmem:v11+s23+$0x0], $0xffff;
	[tilespmem:s13+$0xB0] =	vst v16;
	v16 =	vmul.f32 $8.000000000e+00, v21  }
0x241: {  	v17 =	vmul.f32 $8.000000000e+00, v17;
	v21 =	vld.idx.msk [tilespmem:v12+s23+$0x0], $0xffff;
	[tilespmem:s13+$0xC0] =	vst v19  }
0x242: {  	v19 =	vmul.f32 $8.000000000e+00, v24;
	v24 =	vld.idx.msk [tilespmem:v13+s23+$0x0], $0xffff;
	[tilespmem:s13+$0xD0] =	vst v16  }
0x243: {  	v16 =	vmul.f32 $8.000000000e+00, v22;
	v22 =	vld.idx.msk [tilespmem:v9+s23+$0x0], $0xffff;
	[tilespmem:s13+$0xE0] =	vst v17  }
0x244: {  	v18 =	vmul.f32 $8.000000000e+00, v18;
	[tilespmem:s13+$0xFFFFFD00] =	vst v19;
	v17 =	vld.idx.msk [tilespmem:v6+s23+$0x0], $0xffff  }
0x245: {  	[tilespmem:s13+$0xFFFFFD10] =	vst v16;
	v16 =	vmul.f32 $8.000000000e+00, v20;
	v19 =	vld.idx.msk [tilespmem:v7+s23+$0x0], $0xffff  }
0x246: {  	v20 =	vmul.f32 $8.000000000e+00, v23;
	v23 =	vld.idx.msk [tilespmem:v5+s23+$0x0], $0xffff;
	[tilespmem:s13+$0x2F0] =	vst v18  }
0x247: {  	[tilespmem:s13+$0xFFFFFD20] =	vst v16;
	v16 =	vmul.f32 $8.000000000e+00, v21;
	v18 =	vld.idx.msk [tilespmem:v15+s28+$0x0], $0xffff  }
0x248: {  	[tilespmem:s13+$0xFFFFFD30] =	vst v20;
	v20 =	vmul.f32 $8.000000000e+00, v24;
	v21 =	vld.idx.msk [tilespmem:v4+s23+$0x0], $0xffff  }
0x249: {  	[tilespmem:s13+$0xFFFFFD40] =	vst v16;
	v16 =	vmul.f32 $8.000000000e+00, v22;
	v22 =	vld.idx.msk [tilespmem:v3+s23+$0x0], $0xffff  }
0x24a: {  	v17 =	vmul.f32 $8.000000000e+00, v17;
	[tilespmem:s13+$0xFFFFFD50] =	vst v20;
	v20 =	vld.idx.msk [tilespmem:v2+s23+$0x0], $0xffff  }
0x24b: {  	[tilespmem:s13+$0xFFFFFD60] =	vst v16;
	v16 =	vmul.f32 $8.000000000e+00, v19;
	v19 =	vld.idx.msk [tilespmem:v1+s23+$0x0], $0xffff  }
0x24c: {  	[tilespmem:s13+$0xFFFFFD70] =	vst v17;
	v17 =	vmul.f32 $8.000000000e+00, v23;
	v23 =	vld.idx.msk [tilespmem:v0+s23+$0x0], $0xffff  }
0x24d: {  	v24 =	vld.idx.msk [tilespmem:v14+s24+$0x0], $0xffff;
	[tilespmem:s13+$0x100] =	vst v16;
	v16 =	vmul.f32 $8.000000000e+00, v18  }
0x24e: {  	v18 =	vld.idx.msk [tilespmem:v8+s24+$0x0], $0xffff;
	[tilespmem:s13+$0x110] =	vst v17;
	v17 =	vmul.f32 $8.000000000e+00, v21  }
0x24f: {  	v22 =	vmul.f32 $8.000000000e+00, v22;
	v21 =	vld.idx.msk [tilespmem:v10+s24+$0x0], $0xffff;
	[tilespmem:s13+$0x370] =	vst v16  }
0x250: {  	v16 =	vmul.f32 $8.000000000e+00, v20;
	[tilespmem:s13+$0x120] =	vst v17;
	v15 =	vld.idx.msk [tilespmem:v15+s29+$0x0], $0xffff  }
0x251: {  	v19 =	vmul.f32 $8.000000000e+00, v19;
	v17 =	vld.idx.msk [tilespmem:v11+s24+$0x0], $0xffff;
	[tilespmem:s13+$0x130] =	vst v22  }
0x252: {  	v20 =	vld.idx.msk [tilespmem:v12+s24+$0x0], $0xffff;
	[tilespmem:s13+$0x140] =	vst v16;
	v16 =	vmul.f32 $8.000000000e+00, v23  }
0x253: {  	v22 =	vmul.f32 $8.000000000e+00, v24;
	v23 =	vld.idx.msk [tilespmem:v13+s24+$0x0], $0xffff;
	[tilespmem:s13+$0x150] =	vst v19  }
0x254: {  	v18 =	vmul.f32 $8.000000000e+00, v18;
	v19 =	vld.idx.msk [tilespmem:v9+s24+$0x0], $0xffff;
	[tilespmem:s13+$0x160] =	vst v16  }
0x255: {  	v16 =	vmul.f32 $8.000000000e+00, v21;
	[tilespmem:s13+$0xFFFFFD80] =	vst v22;
	v21 =	vld.idx.msk [tilespmem:v6+s24+$0x0], $0xffff  }
0x256: {  	v15 =	vmul.f32 $8.000000000e+00, v15;
	[tilespmem:s13+$0xFFFFFD90] =	vst v18;
	v18 =	vld.idx.msk [tilespmem:v7+s24+$0x0], $0xffff  }
0x257: {  	[tilespmem:s13+$0xFFFFFDA0] =	vst v16;
	v16 =	vmul.f32 $8.000000000e+00, v17;
	v17 =	vld.idx.msk [tilespmem:v5+s24+$0x0], $0xffff  }
0x258: {  	v20 =	vmul.f32 $8.000000000e+00, v20;
	v22 =	vld.idx.msk [tilespmem:v4+s24+$0x0], $0xffff;
	[tilespmem:s13+$0x3F0] =	vst v15  }
0x259: {  	v15 =	vmul.f32 $8.000000000e+00, v23;
	[tilespmem:s13+$0xFFFFFDB0] =	vst v16;
	v16 =	vld.idx.msk [tilespmem:v3+s24+$0x0], $0xffff  }
0x25a: {  	v19 =	vmul.f32 $8.000000000e+00, v19;
	[tilespmem:s13+$0xFFFFFDC0] =	vst v20;
	v20 =	vld.idx.msk [tilespmem:v2+s24+$0x0], $0xffff  }
0x25b: {  	[tilespmem:s13+$0xFFFFFDD0] =	vst v15;
	v15 =	vmul.f32 $8.000000000e+00, v21;
	v21 =	vld.idx.msk [tilespmem:v1+s24+$0x0], $0xffff  }
0x25c: {  	v18 =	vmul.f32 $8.000000000e+00, v18;
	[tilespmem:s13+$0xFFFFFDE0] =	vst v19;
	v19 =	vld.idx.msk [tilespmem:v0+s24+$0x0], $0xffff  }
0x25d: {  	v23 =	vld.idx.msk [tilespmem:v14+s25+$0x0], $0xffff;
	[tilespmem:s13+$0xFFFFFDF0] =	vst v15;
	v15 =	vmul.f32 $8.000000000e+00, v17  }
0x25e: {  	v17 =	vld.idx.msk [tilespmem:v8+s25+$0x0], $0xffff;
	[tilespmem:s13+$0x180] =	vst v18;
	v18 =	vmul.f32 $8.000000000e+00, v22  }
0x25f: {  	v22 =	vld.idx.msk [tilespmem:v10+s25+$0x0], $0xffff;
	[tilespmem:s13+$0x190] =	vst v15;
	v15 =	vmul.f32 $8.000000000e+00, v16  }
0x260: {  	v16 =	vld.idx.msk [tilespmem:v11+s25+$0x0], $0xffff;
	[tilespmem:s13+$0x1A0] =	vst v18;
	v18 =	vmul.f32 $8.000000000e+00, v20  }
0x261: {  	v20 =	vld.idx.msk [tilespmem:v12+s25+$0x0], $0xffff;
	[tilespmem:s13+$0x1B0] =	vst v15;
	v15 =	vmul.f32 $8.000000000e+00, v21  }
0x262: {  	v21 =	vld.idx.msk [tilespmem:v13+s25+$0x0], $0xffff;
	[tilespmem:s13+$0x1C0] =	vst v18;
	v18 =	vmul.f32 $8.000000000e+00, v19  }
0x263: {  	v19 =	vmul.f32 $8.000000000e+00, v23;
	v23 =	vld.idx.msk [tilespmem:v9+s25+$0x0], $0xffff;
	[tilespmem:s13+$0x1D0] =	vst v15  }
0x264: {  	v15 =	vmul.f32 $8.000000000e+00, v17;
	v17 =	vld.idx.msk [tilespmem:v6+s25+$0x0], $0xffff;
	[tilespmem:s13+$0x1E0] =	vst v18  }
0x265: {  	v18 =	vmul.f32 $8.000000000e+00, v22;
	[tilespmem:s13+$0xFFFFFE00] =	vst v19;
	v19 =	vld.idx.msk [tilespmem:v7+s25+$0x0], $0xffff  }
0x266: {  	[tilespmem:s13+$0xFFFFFE10] =	vst v15;
	v15 =	vmul.f32 $8.000000000e+00, v16;
	v16 =	vld.idx.msk [tilespmem:v5+s25+$0x0], $0xffff  }
0x267: {  	[tilespmem:s13+$0xFFFFFE20] =	vst v18;
	v18 =	vmul.f32 $8.000000000e+00, v20;
	v20 =	vld.idx.msk [tilespmem:v4+s25+$0x0], $0xffff  }
0x268: {  	[tilespmem:s13+$0xFFFFFE30] =	vst v15;
	v15 =	vmul.f32 $8.000000000e+00, v21;
	v21 =	vld.idx.msk [tilespmem:v3+s25+$0x0], $0xffff  }
0x269: {  	[tilespmem:s13+$0xFFFFFE40] =	vst v18;
	v18 =	vmul.f32 $8.000000000e+00, v23;
	v22 =	vld.idx.msk [tilespmem:v2+s25+$0x0], $0xffff  }
0x26a: {  	[tilespmem:s13+$0xFFFFFE50] =	vst v15;
	v15 =	vmul.f32 $8.000000000e+00, v17;
	v17 =	vld.idx.msk [tilespmem:v1+s25+$0x0], $0xffff  }
0x26b: {  	[tilespmem:s13+$0xFFFFFE60] =	vst v18;
	v18 =	vmul.f32 $8.000000000e+00, v19;
	v19 =	vld.idx.msk [tilespmem:v0+s25+$0x0], $0xffff  }
0x26c: {  	v23 =	vld.idx.msk [tilespmem:v14+s26+$0x0], $0xffff;
	[tilespmem:s13+$0xFFFFFE70] =	vst v15;
	v15 =	vmul.f32 $8.000000000e+00, v16  }
0x26d: {  	v16 =	vld.idx.msk [tilespmem:v8+s26+$0x0], $0xffff;
	[tilespmem:s13+$0x200] =	vst v18;
	v18 =	vmul.f32 $8.000000000e+00, v20  }
0x26e: {  	v20 =	vld.idx.msk [tilespmem:v10+s26+$0x0], $0xffff;
	[tilespmem:s13+$0x210] =	vst v15;
	v15 =	vmul.f32 $8.000000000e+00, v21  }
0x26f: {  	v21 =	vld.idx.msk [tilespmem:v11+s26+$0x0], $0xffff;
	[tilespmem:s13+$0x220] =	vst v18;
	v18 =	vmul.f32 $8.000000000e+00, v22  }
0x270: {  	v22 =	vld.idx.msk [tilespmem:v12+s26+$0x0], $0xffff;
	[tilespmem:s13+$0x230] =	vst v15;
	v15 =	vmul.f32 $8.000000000e+00, v17  }
0x271: {  	v17 =	vld.idx.msk [tilespmem:v13+s26+$0x0], $0xffff;
	[tilespmem:s13+$0x240] =	vst v18;
	v18 =	vmul.f32 $8.000000000e+00, v19  }
0x272: {  	v19 =	vmul.f32 $8.000000000e+00, v23;
	v23 =	vld.idx.msk [tilespmem:v9+s26+$0x0], $0xffff;
	[tilespmem:s13+$0x250] =	vst v15  }
0x273: {  	v15 =	vmul.f32 $8.000000000e+00, v16;
	v16 =	vld.idx.msk [tilespmem:v6+s26+$0x0], $0xffff;
	[tilespmem:s13+$0x260] =	vst v18  }
0x274: {  	v18 =	vmul.f32 $8.000000000e+00, v20;
	[tilespmem:s13+$0xFFFFFE80] =	vst v19;
	v19 =	vld.idx.msk [tilespmem:v7+s26+$0x0], $0xffff  }
0x275: {  	[tilespmem:s13+$0xFFFFFE90] =	vst v15;
	v15 =	vmul.f32 $8.000000000e+00, v21;
	v20 =	vld.idx.msk [tilespmem:v5+s26+$0x0], $0xffff  }
0x276: {  	[tilespmem:s13+$0xFFFFFEA0] =	vst v18;
	v18 =	vmul.f32 $8.000000000e+00, v22;
	v21 =	vld.idx.msk [tilespmem:v4+s26+$0x0], $0xffff  }
0x277: {  	[tilespmem:s13+$0xFFFFFEB0] =	vst v15;
	v15 =	vmul.f32 $8.000000000e+00, v17;
	v17 =	vld.idx.msk [tilespmem:v3+s26+$0x0], $0xffff  }
0x278: {  	[tilespmem:s13+$0xFFFFFEC0] =	vst v18;
	v18 =	vmul.f32 $8.000000000e+00, v23;
	v22 =	vld.idx.msk [tilespmem:v2+s26+$0x0], $0xffff  }
0x279: {  	[tilespmem:s13+$0xFFFFFED0] =	vst v15;
	v15 =	vmul.f32 $8.000000000e+00, v16;
	v16 =	vld.idx.msk [tilespmem:v1+s26+$0x0], $0xffff  }
0x27a: {  	[tilespmem:s13+$0xFFFFFEE0] =	vst v18;
	v18 =	vmul.f32 $8.000000000e+00, v19;
	v19 =	vld.idx.msk [tilespmem:v0+s26+$0x0], $0xffff  }
0x27b: {  	v23 =	vld.idx.msk [tilespmem:v14+s28+$0x0], $0xffff;
	[tilespmem:s13+$0xFFFFFEF0] =	vst v15;
	v15 =	vmul.f32 $8.000000000e+00, v20  }
0x27c: {  	v20 =	vld.idx.msk [tilespmem:v8+s28+$0x0], $0xffff;
	[tilespmem:s13+$0x280] =	vst v18;
	v18 =	vmul.f32 $8.000000000e+00, v21  }
0x27d: {  	v21 =	vld.idx.msk [tilespmem:v10+s28+$0x0], $0xffff;
	[tilespmem:s13+$0x290] =	vst v15;
	v15 =	vmul.f32 $8.000000000e+00, v17  }
0x27e: {  	v17 =	vld.idx.msk [tilespmem:v11+s28+$0x0], $0xffff;
	[tilespmem:s13+$0x2A0] =	vst v18;
	v18 =	vmul.f32 $8.000000000e+00, v22  }
0x27f: {  	v22 =	vld.idx.msk [tilespmem:v12+s28+$0x0], $0xffff;
	[tilespmem:s13+$0x2B0] =	vst v15;
	v15 =	vmul.f32 $8.000000000e+00, v16  }
0x280: {  	v16 =	vld.idx.msk [tilespmem:v13+s28+$0x0], $0xffff;
	[tilespmem:s13+$0x2C0] =	vst v18;
	v18 =	vmul.f32 $8.000000000e+00, v19  }
0x281: {  	v19 =	vmul.f32 $8.000000000e+00, v23;
	v23 =	vld.idx.msk [tilespmem:v9+s28+$0x0], $0xffff;
	[tilespmem:s13+$0x2D0] =	vst v15  }
0x282: {  	v15 =	vmul.f32 $8.000000000e+00, v20;
	v20 =	vld.idx.msk [tilespmem:v6+s28+$0x0], $0xffff;
	[tilespmem:s13+$0x2E0] =	vst v18  }
0x283: {  	v18 =	vmul.f32 $8.000000000e+00, v21;
	[tilespmem:s13+$0xFFFFFF00] =	vst v19;
	v19 =	vld.idx.msk [tilespmem:v7+s28+$0x0], $0xffff  }
0x284: {  	[tilespmem:s13+$0xFFFFFF10] =	vst v15;
	v15 =	vmul.f32 $8.000000000e+00, v17;
	v17 =	vld.idx.msk [tilespmem:v5+s28+$0x0], $0xffff  }
0x285: {  	[tilespmem:s13+$0xFFFFFF20] =	vst v18;
	v18 =	vmul.f32 $8.000000000e+00, v22;
	v21 =	vld.idx.msk [tilespmem:v4+s28+$0x0], $0xffff  }
0x286: {  	[tilespmem:s13+$0xFFFFFF30] =	vst v15;
	v15 =	vmul.f32 $8.000000000e+00, v16;
	v16 =	vld.idx.msk [tilespmem:v3+s28+$0x0], $0xffff  }
0x287: {  	[tilespmem:s13+$0xFFFFFF40] =	vst v18;
	v18 =	vmul.f32 $8.000000000e+00, v23;
	v22 =	vld.idx.msk [tilespmem:v2+s28+$0x0], $0xffff  }
0x288: {  	[tilespmem:s13+$0xFFFFFF50] =	vst v15;
	v15 =	vmul.f32 $8.000000000e+00, v20;
	v20 =	vld.idx.msk [tilespmem:v1+s28+$0x0], $0xffff  }
0x289: {  	[tilespmem:s13+$0xFFFFFF60] =	vst v18;
	v18 =	vmul.f32 $8.000000000e+00, v19;
	v19 =	vld.idx.msk [tilespmem:v0+s28+$0x0], $0xffff  }
0x28a: {  	v14 =	vld.idx.msk [tilespmem:v14+s29+$0x0], $0xffff;
	[tilespmem:s13+$0xFFFFFF70] =	vst v15;
	v15 =	vmul.f32 $8.000000000e+00, v17  }
0x28b: {  	v17 =	vmul.f32 $8.000000000e+00, v21;
	v8 =	vld.idx.msk [tilespmem:v8+s29+$0x0], $0xffff;
	[tilespmem:s13+$0x300] =	vst v18  }
0x28c: {  	v10 =	vld.idx.msk [tilespmem:v10+s29+$0x0], $0xffff;
	[tilespmem:s13+$0x310] =	vst v15;
	v15 =	vmul.f32 $8.000000000e+00, v16  }
0x28d: {  	v16 =	vmul.f32 $8.000000000e+00, v22;
	v11 =	vld.idx.msk [tilespmem:v11+s29+$0x0], $0xffff;
	[tilespmem:s13+$0x320] =	vst v17  }
0x28e: {  	v12 =	vld.idx.msk [tilespmem:v12+s29+$0x0], $0xffff;
	[tilespmem:s13+$0x330] =	vst v15;
	v15 =	vmul.f32 $8.000000000e+00, v20  }
0x28f: {  	v13 =	vld.idx.msk [tilespmem:v13+s29+$0x0], $0xffff;
	[tilespmem:s13+$0x340] =	vst v16;
	v16 =	vmul.f32 $8.000000000e+00, v19  }
0x290: {  	v14 =	vmul.f32 $8.000000000e+00, v14;
	v9 =	vld.idx.msk [tilespmem:v9+s29+$0x0], $0xffff;
	[tilespmem:s13+$0x350] =	vst v15  }
0x291: {  	v8 =	vmul.f32 $8.000000000e+00, v8;
	v6 =	vld.idx.msk [tilespmem:v6+s29+$0x0], $0xffff;
	[tilespmem:s13+$0x360] =	vst v16  }
0x292: {  	v10 =	vmul.f32 $8.000000000e+00, v10;
	[tilespmem:s13+$0xFFFFFF80] =	vst v14;
	v14 =	vld.idx.msk [tilespmem:v7+s29+$0x0], $0xffff  }
0x293: {  	v7 =	vmul.f32 $8.000000000e+00, v11;
	[tilespmem:s13+$0xFFFFFF90] =	vst v8;
	v5 =	vld.idx.msk [tilespmem:v5+s29+$0x0], $0xffff  }
.Ltmp1:
0x294: {  	v8 =	vmul.f32 $8.000000000e+00, v12;
	[tilespmem:s13+$0xFFFFFFA0] =	vst v10;
	v4 =	vld.idx.msk [tilespmem:v4+s29+$0x0], $0xffff;
	(pc) =	sbr.rel @p0 .LBB2_5-.Ltmp1, $4  }
0x295: {  	[tilespmem:s13+$0xFFFFFFB0] =	vst v7;
	v7 =	vmul.f32 $8.000000000e+00, v13;
	v3 =	vld.idx.msk [tilespmem:v3+s29+$0x0], $0xffff  }
0x296: {  	[tilespmem:s13+$0xFFFFFFC0] =	vst v8;
	v8 =	vmul.f32 $8.000000000e+00, v9;
	v2 =	vld.idx.msk [tilespmem:v2+s29+$0x0], $0xffff  }
0x297: {  	[tilespmem:s13+$0xFFFFFFD0] =	vst v7;
	v7 =	vmul.f32 $8.000000000e+00, v6;
	v1 =	vld.idx.msk [tilespmem:v1+s29+$0x0], $0xffff  }
0x298: {  	s15 =	sadd.s32 $0x100, s15;
	v6 =	vmul.f32 $8.000000000e+00, v14;
	[tilespmem:s13+$0xFFFFFFE0] =	vst v8;
	v0 =	vld.idx.msk [tilespmem:v0+s29+$0x0], $0xffff  }
0x299: {  	[tilespmem:s13+$0xFFFFFFF0] =	vst v7;
	v5 =	vmul.f32 $8.000000000e+00, v5  }
0x29a: {  	v4 =	vmul.f32 $8.000000000e+00, v4;
	[tilespmem:s13+$0x380] =	vst v6  }
0x29b: {  	v3 =	vmul.f32 $8.000000000e+00, v3;
	[tilespmem:s13+$0x390] =	vst v5  }
0x29c: {  	[tilespmem:s13+$0x3A0] =	vst v4;
	v2 =	vmul.f32 $8.000000000e+00, v2  }
0x29d: {  	s10 =	sadd.s32 $0x1, s10;
	[tilespmem:s13+$0x3B0] =	vst v3;
	v1 =	vmul.f32 $8.000000000e+00, v1  }
0x29e: {  	p0 =	sne.s32 s10, $0x19;
	[tilespmem:s13+$0x3C0] =	vst v2;
	v0 =	vmul.f32 $8.000000000e+00, v0  }
.Ltmp2:
0x29f: {  	[tilespmem:s13+$0x3D0] =	vst v1;
	(pc) =	sbr.rel @p0 .LBB2_2-.Ltmp2, $4  }
0x2a0: {  	s11 =	sadd.s32 @!p1 s11, s17;
	s14 =	simm.s32 @!p1 $0xA400;
	[tilespmem:s13+$0x3E0] =	vst v0;
	s13 =	simm.s32 @!p1 $0x0  }
0x2a1: {  	[tilespmem:s14], [sflag:$0x2] =	stream.linear.gather @!p1 [hbm4b:s11+s13], $0x1000, $0x38;
	[tilespmem:$0x1B400] =	vst v63  }
0x2a2: {  	s15 =	sadd.s32 s12, s18  }
0x2a3: {  	[hbm4b:s15+s3] =	stream.linear.scatter [tilespmem:s6], [sflag:$0x4], $0x8000, $0x38;
	[tilespmem:$0x1B400] =	vst v63  }
0x2a4: {  	s9 =	sadd.s32 $0x1, s9  }
0x2a5: {  	_ =	swait.ge [sflag:s7], $0x8000;
	p0 =	sne.s32 s9, s19  }
.Ltmp3:
0x2a6: {  	[sflag:s7] =	ssyncset.done $0x0;
	(pc) =	sbr.rel @p0 .LBB2_1-.Ltmp3, $4  }
0x2a7: {  	[sflag:s7] =	ssyncadd.s32 $0xFFFF8000  }
0x2a8: {  	_ =	swait.ge [sflag:s8], $0x8000  }
0x2a9: {  	[sflag:s8] =	ssyncset.done $0x0  }
0x2aa: {  	[sflag:s8] =	ssyncadd.s32 $0xFFFF8000  }
0x2ab: {  	_ =	sfence.sel $0x180000  }
0x2ac: {  	[bflag:$0x0] =	sbarrier.arrive $0xFFFF  }
0x2ad: {  	_ =	strace $0x90000047  }
0x2ae: {  	s0 =	stileid.u32;
	[bflag:$0x2] =	sbarrier.arrive $0xFFFF  }
0x2af: {  	p0 =	sne.s32 s0, $0x0;
	s0 =	rddreg [dreg:$0x2]  }
0x2b0: {  	s0 =	sadd.s32 @!p0 $0x100000, s0  }
0x2b1: {  	[sflag:s0] =	ssyncadd.tile.s32 @!p0 $0x1;
	_ =	shalt  }
.Lfunc_end2:
_tile_overlayer_lowered:
.L_overlay_start_2:
0x2b2: {  	(tag) =	ssettag $0x2  }
0x2b3: {  	s0 =	rddreg [dreg:$0x0];
	s2 =	stileid.u32  }
0x2b4: {  	s1 =	rddreg [dreg:$0x1];
	p0 =	sne.s32 s2, $0x0  }
0x2b5: {  	s3 =	rddreg [dreg:$0x2];
	[bflag:$0x3] =	sbarrier.arrive $0xFFFF;
	s2 =	simm.s32 @!p0 $0x1C06  }
0x2b6: {  	[timem:s3], [sflag:s2] =	dma.local @!p0 [hbm:s0], s1  }
0x2b7: {  	s0 =	simm.s32 @!p0 $0x6  }
0x2b8: {  	_ =	swait.ge @!p0 [sflag:s0], s1  }
0x2b9: {  	s1 =	ssub.s32 @!p0 $0x0, s1;
	[sflag:s0] =	ssyncset.done @!p0 $0x0  }
0x2ba: {  	[sflag:s0] =	ssyncadd.s32 @!p0 s1  }
0x2bb: {  	[bflag:$0x3] =	sbarrier.arrive $0xFFFF  }
0x2bc: {  	_ =	shalt  }

</sc_bundles>
